<compile_context>
chip_gen: v7x
topology: tpu7x:2x2x1
jax: 0.10.2.dev20260603
libtpu: 0.0.44.dev20260713+nightly
codegen_flags: <defaults>
</compile_context>

<pallas_src>
import functools

import jax
import jax.numpy as jnp
from jax import lax
from jax.experimental import pallas as pl
from jax.experimental.pallas import tpu as pltpu
from jax.experimental.pallas import tpu_sc as plsc

N = 10000
D = 128
E = 320000

NC = 2
NS = 16
NW = NC * NS
B = 40
NB = E // B
NP = 10240
RPT = NP // NS
NI = NB // NW
BC = 40
NIC = (E // BC) // NW


def _agg_body(x_hbm, src_hbm, dst_hbm, zrows_hbm,
              agg_hbm,
              acc, s0, s1, d0, d1, r0v, r1v, sem0, sem1):
    c = lax.axis_index("c")
    s = lax.axis_index("s")
    w = s * NC + c
    r0 = s * RPT

    pltpu.sync_copy(zrows_hbm.at[pl.ds(r0, RPT)], acc.at[pl.ds(r0, RPT)])
    plsc.subcore_barrier()

    def load_idx(i, sv, dv):
        base = (w + i * NW) * B
        pltpu.sync_copy(src_hbm.at[pl.ds(base, B)], sv)
        pltpu.sync_copy(dst_hbm.at[pl.ds(base, B)], dv)

    load_idx(0, s0, d0)
    pltpu.async_copy(x_hbm.at[s0], r0v, sem0)

    def body(k, carry):
        load_idx(2 * k + 1, s1, d1)
        pltpu.async_copy(x_hbm.at[s1], r1v, sem1)
        pltpu.make_async_copy(x_hbm.at[s0], r0v, sem0).wait()
        pltpu.sync_copy(r0v, acc.at[d0], add=True)

        @pl.when(k < NI // 2 - 1)
        def _():
            load_idx(2 * k + 2, s0, d0)
            pltpu.async_copy(x_hbm.at[s0], r0v, sem0)

        pltpu.make_async_copy(x_hbm.at[s1], r1v, sem1).wait()
        pltpu.sync_copy(r1v, acc.at[d1], add=True)
        return carry

    lax.fori_loop(0, NI // 2, body, 0)

    plsc.subcore_barrier()
    pltpu.sync_copy(acc.at[pl.ds(r0, RPT)], agg_hbm.at[c, pl.ds(r0, RPT)])


def _cnt_body(dst_hbm, zrows_hbm, cnt_hbm, cacc, d0, d1, ones_v, sem0, sem1):
    c = lax.axis_index("c")
    s = lax.axis_index("s")
    w = s * NC + c
    r0 = s * RPT

    pltpu.sync_copy(zrows_hbm.at[pl.ds(r0, RPT)], cacc.at[pl.ds(r0, RPT)])
    ones16 = jnp.ones((16,), jnp.float32)

    def fill(i, carry):
        for q in range(D // 16):
            ones_v[i, pl.ds(q * 16, 16)] = ones16
        return carry

    lax.fori_loop(0, BC, fill, 0)
    plsc.subcore_barrier()

    def dslice(i):
        return dst_hbm.at[pl.ds((w + i * NW) * BC, BC)]

    pltpu.async_copy(dslice(0), d0, sem0)

    def body(k, carry):
        pltpu.async_copy(dslice(2 * k + 1), d1, sem1)
        pltpu.make_async_copy(dslice(2 * k), d0, sem0).wait()
        pltpu.sync_copy(ones_v, cacc.at[d0], add=True)

        @pl.when(k < NIC // 2 - 1)
        def _():
            pltpu.async_copy(dslice(2 * k + 2), d0, sem0)

        pltpu.make_async_copy(dslice(2 * k + 1), d1, sem1).wait()
        pltpu.sync_copy(ones_v, cacc.at[d1], add=True)
        return carry

    lax.fori_loop(0, NIC // 2, body, 0)

    plsc.subcore_barrier()
    pltpu.sync_copy(cacc.at[pl.ds(r0, RPT)], cnt_hbm.at[c, pl.ds(r0, RPT)])


def _sc_aggregate(feat, src, dst):
    zrows = jnp.zeros((NP, D), jnp.float32)
    agg, = pl.kernel(
        _agg_body,
        out_type=[
            jax.ShapeDtypeStruct((NC, NP, D), jnp.float32),
        ],
        mesh=plsc.VectorSubcoreMesh(core_axis_name="c", subcore_axis_name="s"),
        scratch_types=[
            pltpu.VMEM_SHARED((NP, D), jnp.float32),
            pltpu.VMEM((B,), jnp.int32),
            pltpu.VMEM((B,), jnp.int32),
            pltpu.VMEM((B,), jnp.int32),
            pltpu.VMEM((B,), jnp.int32),
            pltpu.VMEM((B, D), jnp.float32),
            pltpu.VMEM((B, D), jnp.float32),
            pltpu.SemaphoreType.DMA,
            pltpu.SemaphoreType.DMA,
        ],
    )(feat, src, dst, zrows)
    return agg


def _sc_count(dst):
    zrows = jnp.zeros((NP, D), jnp.float32)
    cnt, = pl.kernel(
        _cnt_body,
        out_type=[
            jax.ShapeDtypeStruct((NC, NP, D), jnp.float32),
        ],
        mesh=plsc.VectorSubcoreMesh(core_axis_name="c", subcore_axis_name="s"),
        scratch_types=[
            pltpu.VMEM_SHARED((NP, D), jnp.float32),
            pltpu.VMEM((BC,), jnp.int32),
            pltpu.VMEM((BC,), jnp.int32),
            pltpu.VMEM((BC, D), jnp.float32),
            pltpu.SemaphoreType.DMA,
            pltpu.SemaphoreType.DMA,
        ],
    )(dst, zrows)
    return cnt


R = 1000


def _mlp_body(x_ref, agg_ref, cnt_ref, ws_ref, wn_ref, b_ref, out_ref, *, relu):
    cnt = cnt_ref[0][:, :1] + cnt_ref[1][:, :1]
    mean = (agg_ref[0] + agg_ref[1]) / jnp.maximum(cnt, 1.0)
    acc = lax.dot_general(x_ref[...], ws_ref[...], (((1,), (1,)), ((), ())),
                          preferred_element_type=jnp.float32)
    acc = acc + lax.dot_general(mean, wn_ref[...], (((1,), (1,)), ((), ())),
                                preferred_element_type=jnp.float32)
    acc = acc + b_ref[...]
    out_ref[...] = jnp.maximum(acc, 0.0) if relu else acc


def _mlp(x, agg, cnt, W_self, W_neigh, b, relu):
    h = W_self.shape[0]
    return pl.pallas_call(
        functools.partial(_mlp_body, relu=relu),
        grid=(N // R,),
        in_specs=[
            pl.BlockSpec((R, x.shape[1]), lambda i: (i, 0)),
            pl.BlockSpec((NC, R, D), lambda i: (0, i, 0)),
            pl.BlockSpec((NC, R, D), lambda i: (0, i, 0)),
            pl.BlockSpec(W_self.shape, lambda i: (0, 0)),
            pl.BlockSpec(W_neigh.shape, lambda i: (0, 0)),
            pl.BlockSpec((1, h), lambda i: (0, 0)),
        ],
        out_specs=pl.BlockSpec((R, h), lambda i: (i, 0)),
        out_shape=jax.ShapeDtypeStruct((N, h), jnp.float32),
    )(x, agg, cnt, W_self, W_neigh, b.reshape(1, h))


def kernel(x, edge_index1, edge_index2, W_self1, W_neigh1, b1,
           W_self2, W_neigh2, b2):
    src1 = edge_index1[0].reshape(E)
    dst1 = edge_index1[1].reshape(E)
    src2 = edge_index2[0].reshape(E)
    dst2 = edge_index2[1].reshape(E)
    cnt1 = _sc_count(dst1)
    cnt2 = _sc_count(dst2)
    agg1 = _sc_aggregate(x, src1, dst1)
    hmid = _mlp(x, agg1, cnt1, W_self1, W_neigh1, b1, relu=True)
    agg2 = _sc_aggregate(hmid, src2, dst2)
    return _mlp(hmid, agg2, cnt2, W_self2, W_neigh2, b2, relu=False)

# --- scband reference (transcript-rebuilt; emitter-appended) ---
"""Pipeline reference for scband-hetero-sage-61117384622852 (READ-ONLY COPY).

The authoritative reference and input builder live on the scoring server;
editing this copy changes nothing except your own understanding.
"""

import jax, jax.numpy as jnp
import numpy as np

N = 10000
E = 320000
D = 128
H = 128


def _sage_layer(x_src, x_dst, edges, W_self, W_neigh, b):
    # DGL SAGEConv 'mean': fc_self(h_dst) + fc_neigh(mean_{u in N(v)} h_src[u]) + bias
    src = edges[0]
    dst = edges[1]
    msg = jnp.take(x_src, src, axis=0)                                   # gather [E, d]
    agg = jax.ops.segment_sum(msg, dst, num_segments=x_dst.shape[0])     # scatter-add [N_dst, d]
    cnt = jax.ops.segment_sum(jnp.ones((edges.shape[1],), dtype=x_src.dtype), dst,
                              num_segments=x_dst.shape[0])
    mean = agg / jnp.clip(cnt, 1.0, None)[:, None]                        # zero-degree -> 0
    return x_dst @ W_self.T + mean @ W_neigh.T + b


def setup_inputs(seed: int = 0) -> dict:
    key = jax.random.key(seed)
    ks = jax.random.split(key, 10)
    x = jax.random.normal(ks[0], (N, D), dtype=jnp.float32)
    edge_index1 = jax.random.randint(ks[1], (2, E), 0, N, dtype=jnp.int32)
    edge_index2 = jax.random.randint(ks[2], (2, E), 0, N, dtype=jnp.int32)
    s1 = 1.0 / np.sqrt(D)
    s2 = 1.0 / np.sqrt(H)
    W_self1 = jax.random.uniform(ks[3], (H, D), dtype=jnp.float32, minval=-s1, maxval=s1)
    W_neigh1 = jax.random.uniform(ks[4], (H, D), dtype=jnp.float32, minval=-s1, maxval=s1)
    b1 = jnp.zeros((H,), dtype=jnp.float32)
    W_self2 = jax.random.uniform(ks[5], (H, H), dtype=jnp.float32, minval=-s2, maxval=s2)
    W_neigh2 = jax.random.uniform(ks[6], (H, H), dtype=jnp.float32, minval=-s2, maxval=s2)
    b2 = jnp.zeros((H,), dtype=jnp.float32)
    return {"x": x, "edge_index1": edge_index1, "edge_index2": edge_index2,
            "W_self1": W_self1, "W_neigh1": W_neigh1, "b1": b1,
            "W_self2": W_self2, "W_neigh2": W_neigh2, "b2": b2}


def reference(x, edge_index1, edge_index2, W_self1, W_neigh1, b1, W_self2, W_neigh2, b2):
    # Layer 1 (SAGEConv in->hidden) + ReLU (not last layer)
    h = jax.nn.relu(_sage_layer(x, x, edge_index1, W_self1, W_neigh1, b1))
    # Layer 2 (SAGEConv hidden->hidden), no activation on last layer
    out = _sage_layer(h, h, edge_index2, W_self2, W_neigh2, b2)
    return out

if __name__ == "__main__":
    import jax
    _d = setup_inputs()
    print(jax.jit(kernel)(*tuple(_d.values())))

</pallas_src>

<mosaic_0001>
#map = affine_map<(d0, d1) -> (0, 0)>
#map1 = affine_map<(d0, d1) -> (0)>
#map2 = affine_map<(d0, d1) -> (0, 0, 0)>
module attributes {stable_mosaic.version = 14 : i64} {
  func.func @_agg_body(%arg0: i32, %arg1: i32, %arg2: memref<10000x128xf32, #tpu.memory_space<hbm>>, %arg3: memref<320000xi32, #tpu.memory_space<hbm>>, %arg4: memref<320000xi32, #tpu.memory_space<hbm>>, %arg5: memref<10240x128xf32, #tpu.memory_space<hbm>>, %arg6: memref<2x10240x128xf32, #tpu.memory_space<hbm>>, %arg7: memref<10240x128xf32, #tpu.memory_space<vmem_shared>>, %arg8: memref<40xi32, #tpu.memory_space<vmem>>, %arg9: memref<40xi32, #tpu.memory_space<vmem>>, %arg10: memref<40xi32, #tpu.memory_space<vmem>>, %arg11: memref<40xi32, #tpu.memory_space<vmem>>, %arg12: memref<40x128xf32, #tpu.memory_space<vmem>>, %arg13: memref<40x128xf32, #tpu.memory_space<vmem>>, %arg14: memref<!tpu.dma_semaphore, #tpu.memory_space<semaphore_mem>>, %arg15: memref<!tpu.dma_semaphore, #tpu.memory_space<semaphore_mem>>) attributes {dimension_semantics = [#tpu.dimension_semantics<core_parallel>, #tpu.dimension_semantics<subcore_parallel>], iteration_bounds = array<i64: 2, 16>, scalar_prefetch = 0 : i64, scratch_operands = 9 : i64, tpu.core_type = #tpu.core_type<sc_vector_subcore>, window_params = [{transform_indices = #map}, {transform_indices = #map1}, {transform_indices = #map1}, {transform_indices = #map}, {transform_indices = #map2}]} {
    %mul3A = arith.constant 2 : i32
    %mul3A_0 = arith.muli %arg1, %mul3A : i32
    %add3A = arith.addi %mul3A_0, %arg0 : i32
    %mul3A_1 = arith.constant 640 : i32
    %mul3A_2 = arith.muli %arg1, %mul3A_1 : i32
    "tpu.region"() ({
      %run_scoped3A = tpu.sem_alloc : memref<!tpu.dma_semaphore, #tpu.memory_space<semaphore_mem>>
      %dma_start3A_15 = arith.constant 0 : i32
      %dma_start3A_16 = tpu.memref_slice %arg7[%mul3A_2, %dma_start3A_15] : memref<10240x128xf32, #tpu.memory_space<vmem_shared>> -> memref<640x128xf32, #tpu.memory_space<vmem_shared>>
      %dma_start3A_17 = arith.constant 0 : i32
      %dma_start3A_18 = tpu.memref_slice %arg5[%mul3A_2, %dma_start3A_17] : memref<10240x128xf32, #tpu.memory_space<hbm>> -> memref<640x128xf32, #tpu.memory_space<hbm>>
      tpu.enqueue_dma source(%dma_start3A_18 : memref<640x128xf32, #tpu.memory_space<hbm>>) target(%dma_start3A_16 : memref<640x128xf32, #tpu.memory_space<vmem_shared>>) target_semaphore(%run_scoped3A : memref<!tpu.dma_semaphore, #tpu.memory_space<semaphore_mem>>)
      %dma_wait3A = arith.constant 0 : i32
      %dma_wait3A_19 = tpu.memref_slice %arg7[%mul3A_2, %dma_wait3A] : memref<10240x128xf32, #tpu.memory_space<vmem_shared>> -> memref<640x128xf32, #tpu.memory_space<vmem_shared>>
      %dma_wait3A_20 = arith.constant 0 : i32
      %dma_wait3A_21 = tpu.memref_slice %arg5[%mul3A_2, %dma_wait3A_20] : memref<10240x128xf32, #tpu.memory_space<hbm>> -> memref<640x128xf32, #tpu.memory_space<hbm>>
      tpu.wait_dma2 semaphore(%run_scoped3A : memref<!tpu.dma_semaphore, #tpu.memory_space<semaphore_mem>>) src(%dma_wait3A_21 : memref<640x128xf32, #tpu.memory_space<hbm>>) dst(%dma_wait3A_19 : memref<640x128xf32, #tpu.memory_space<vmem_shared>>)
      tpu.yield
    }) : () -> ()
    %barrier3A = arith.constant 0 : index
    tpu.barrier barrier_id(%barrier3A)
    %add3A_3 = arith.constant 0 : i32
    %add3A_4 = arith.addi %add3A, %add3A_3 : i32
    %mul3A_5 = arith.constant 40 : i32
    %mul3A_6 = arith.muli %add3A_4, %mul3A_5 : i32
    "tpu.region"() ({
      %run_scoped3A = tpu.sem_alloc : memref<!tpu.dma_semaphore, #tpu.memory_space<semaphore_mem>>
      %dma_start3A_15 = tpu.memref_slice %arg3[%mul3A_6] : memref<320000xi32, #tpu.memory_space<hbm>> -> memref<40xi32, #tpu.memory_space<hbm>>
      %dma_start3A_16 = tpu.memref_slice %arg3[%mul3A_6] : memref<320000xi32, #tpu.memory_space<hbm>> -> memref<40xi32, #tpu.memory_space<hbm>>
      tpu.enqueue_dma source(%dma_start3A_16 : memref<40xi32, #tpu.memory_space<hbm>>) target(%arg8 : memref<40xi32, #tpu.memory_space<vmem>>) target_semaphore(%run_scoped3A : memref<!tpu.dma_semaphore, #tpu.memory_space<semaphore_mem>>)
      %dma_wait3A = tpu.memref_slice %arg3[%mul3A_6] : memref<320000xi32, #tpu.memory_space<hbm>> -> memref<40xi32, #tpu.memory_space<hbm>>
      %dma_wait3A_17 = tpu.memref_slice %arg3[%mul3A_6] : memref<320000xi32, #tpu.memory_space<hbm>> -> memref<40xi32, #tpu.memory_space<hbm>>
      tpu.wait_dma2 semaphore(%run_scoped3A : memref<!tpu.dma_semaphore, #tpu.memory_space<semaphore_mem>>) src(%dma_wait3A_17 : memref<40xi32, #tpu.memory_space<hbm>>) dst(%arg8 : memref<40xi32, #tpu.memory_space<vmem>>)
      tpu.yield
    }) : () -> ()
    "tpu.region"() ({
      %run_scoped3A = tpu.sem_alloc : memref<!tpu.dma_semaphore, #tpu.memory_space<semaphore_mem>>
      %dma_start3A_15 = tpu.memref_slice %arg4[%mul3A_6] : memref<320000xi32, #tpu.memory_space<hbm>> -> memref<40xi32, #tpu.memory_space<hbm>>
      %dma_start3A_16 = tpu.memref_slice %arg4[%mul3A_6] : memref<320000xi32, #tpu.memory_space<hbm>> -> memref<40xi32, #tpu.memory_space<hbm>>
      tpu.enqueue_dma source(%dma_start3A_16 : memref<40xi32, #tpu.memory_space<hbm>>) target(%arg10 : memref<40xi32, #tpu.memory_space<vmem>>) target_semaphore(%run_scoped3A : memref<!tpu.dma_semaphore, #tpu.memory_space<semaphore_mem>>)
      %dma_wait3A = tpu.memref_slice %arg4[%mul3A_6] : memref<320000xi32, #tpu.memory_space<hbm>> -> memref<40xi32, #tpu.memory_space<hbm>>
      %dma_wait3A_17 = tpu.memref_slice %arg4[%mul3A_6] : memref<320000xi32, #tpu.memory_space<hbm>> -> memref<40xi32, #tpu.memory_space<hbm>>
      tpu.wait_dma2 semaphore(%run_scoped3A : memref<!tpu.dma_semaphore, #tpu.memory_space<semaphore_mem>>) src(%dma_wait3A_17 : memref<40xi32, #tpu.memory_space<hbm>>) dst(%arg10 : memref<40xi32, #tpu.memory_space<vmem>>)
      tpu.yield
    }) : () -> ()
    %dma_start3A = arith.constant 0 : i32
    %dma_start3A_7 = arith.constant 0 : i32
    %dma_start3A_8 = tpu.memref_slice %arg2[%dma_start3A, %dma_start3A_7] : memref<10000x128xf32, #tpu.memory_space<hbm>> -> memref<10000x128xf32, #tpu.memory_space<hbm>>
    tpu.enqueue_indirect_dma source(%dma_start3A_8 : memref<10000x128xf32, #tpu.memory_space<hbm>>) target(%arg12 : memref<40x128xf32, #tpu.memory_space<vmem>>) offsets(%arg8 : memref<40xi32, #tpu.memory_space<vmem>>) semaphore(%arg14 : memref<!tpu.dma_semaphore, #tpu.memory_space<semaphore_mem>>)
    %scan3A = arith.constant 0 : i32
    %scan3A_9 = arith.constant 0 : i32
    %scan3A_10 = arith.constant 125 : i32
    %scan3A_11 = arith.addi %scan3A_9, %scan3A_10 : i32
    %scan3A_12 = arith.constant 1 : i32
    scf.for %scan3A_15 = %scan3A_9 to %scan3A_11 step %scan3A_12  : i32 {
      %mul3A_16 = arith.constant 2 : i32
      %mul3A_17 = arith.muli %mul3A_16, %scan3A_15 : i32
      %add3A_18 = arith.constant 1 : i32
      %add3A_19 = arith.addi %mul3A_17, %add3A_18 : i32
      %mul3A_20 = arith.constant 32 : i32
      %mul3A_21 = arith.muli %add3A_19, %mul3A_20 : i32
      %add3A_22 = arith.addi %add3A, %mul3A_21 : i32
      %mul3A_23 = arith.constant 40 : i32
      %mul3A_24 = arith.muli %add3A_22, %mul3A_23 : i32
      "tpu.region"() ({
        %run_scoped3A = tpu.sem_alloc : memref<!tpu.dma_semaphore, #tpu.memory_space<semaphore_mem>>
        %dma_start3A_35 = tpu.memref_slice %arg3[%mul3A_24] : memref<320000xi32, #tpu.memory_space<hbm>> -> memref<40xi32, #tpu.memory_space<hbm>>
        %dma_start3A_36 = tpu.memref_slice %arg3[%mul3A_24] : memref<320000xi32, #tpu.memory_space<hbm>> -> memref<40xi32, #tpu.memory_space<hbm>>
        tpu.enqueue_dma source(%dma_start3A_36 : memref<40xi32, #tpu.memory_space<hbm>>) target(%arg9 : memref<40xi32, #tpu.memory_space<vmem>>) target_semaphore(%run_scoped3A : memref<!tpu.dma_semaphore, #tpu.memory_space<semaphore_mem>>)
        %dma_wait3A_37 = tpu.memref_slice %arg3[%mul3A_24] : memref<320000xi32, #tpu.memory_space<hbm>> -> memref<40xi32, #tpu.memory_space<hbm>>
        %dma_wait3A_38 = tpu.memref_slice %arg3[%mul3A_24] : memref<320000xi32, #tpu.memory_space<hbm>> -> memref<40xi32, #tpu.memory_space<hbm>>
        tpu.wait_dma2 semaphore(%run_scoped3A : memref<!tpu.dma_semaphore, #tpu.memory_space<semaphore_mem>>) src(%dma_wait3A_38 : memref<40xi32, #tpu.memory_space<hbm>>) dst(%arg9 : memref<40xi32, #tpu.memory_space<vmem>>)
        tpu.yield
      }) : () -> ()
      "tpu.region"() ({
        %run_scoped3A = tpu.sem_alloc : memref<!tpu.dma_semaphore, #tpu.memory_space<semaphore_mem>>
        %dma_start3A_35 = tpu.memref_slice %arg4[%mul3A_24] : memref<320000xi32, #tpu.memory_space<hbm>> -> memref<40xi32, #tpu.memory_space<hbm>>
        %dma_start3A_36 = tpu.memref_slice %arg4[%mul3A_24] : memref<320000xi32, #tpu.memory_space<hbm>> -> memref<40xi32, #tpu.memory_space<hbm>>
        tpu.enqueue_dma source(%dma_start3A_36 : memref<40xi32, #tpu.memory_space<hbm>>) target(%arg11 : memref<40xi32, #tpu.memory_space<vmem>>) target_semaphore(%run_scoped3A : memref<!tpu.dma_semaphore, #tpu.memory_space<semaphore_mem>>)
        %dma_wait3A_37 = tpu.memref_slice %arg4[%mul3A_24] : memref<320000xi32, #tpu.memory_space<hbm>> -> memref<40xi32, #tpu.memory_space<hbm>>
        %dma_wait3A_38 = tpu.memref_slice %arg4[%mul3A_24] : memref<320000xi32, #tpu.memory_space<hbm>> -> memref<40xi32, #tpu.memory_space<hbm>>
        tpu.wait_dma2 semaphore(%run_scoped3A : memref<!tpu.dma_semaphore, #tpu.memory_space<semaphore_mem>>) src(%dma_wait3A_38 : memref<40xi32, #tpu.memory_space<hbm>>) dst(%arg11 : memref<40xi32, #tpu.memory_space<vmem>>)
        tpu.yield
      }) : () -> ()
      %dma_start3A_25 = arith.constant 0 : i32
      %dma_start3A_26 = arith.constant 0 : i32
      %dma_start3A_27 = tpu.memref_slice %arg2[%dma_start3A_25, %dma_start3A_26] : memref<10000x128xf32, #tpu.memory_space<hbm>> -> memref<10000x128xf32, #tpu.memory_space<hbm>>
      tpu.enqueue_indirect_dma source(%dma_start3A_27 : memref<10000x128xf32, #tpu.memory_space<hbm>>) target(%arg13 : memref<40x128xf32, #tpu.memory_space<vmem>>) offsets(%arg9 : memref<40xi32, #tpu.memory_space<vmem>>) semaphore(%arg15 : memref<!tpu.dma_semaphore, #tpu.memory_space<semaphore_mem>>)
      %dma_wait3A = arith.constant 0 : i32
      %dma_wait3A_28 = arith.constant 0 : i32
      %dma_wait3A_29 = tpu.memref_slice %arg2[%dma_wait3A, %dma_wait3A_28] : memref<10000x128xf32, #tpu.memory_space<hbm>> -> memref<10000x128xf32, #tpu.memory_space<hbm>>
      tpu.wait_indirect_dma semaphore(%arg14 : memref<!tpu.dma_semaphore, #tpu.memory_space<semaphore_mem>>) src(%dma_wait3A_29 : memref<10000x128xf32, #tpu.memory_space<hbm>>) dst(%arg12 : memref<40x128xf32, #tpu.memory_space<vmem>>)
      "tpu.region"() ({
        %run_scoped3A = tpu.sem_alloc : memref<!tpu.dma_semaphore, #tpu.memory_space<semaphore_mem>>
        %dma_start3A_35 = arith.constant 0 : i32
        %dma_start3A_36 = arith.constant 0 : i32
        %dma_start3A_37 = tpu.memref_slice %arg7[%dma_start3A_35, %dma_start3A_36] : memref<10240x128xf32, #tpu.memory_space<vmem_shared>> -> memref<10240x128xf32, #tpu.memory_space<vmem_shared>>
        tpu.enqueue_indirect_dma source(%arg12 : memref<40x128xf32, #tpu.memory_space<vmem>>) target(%dma_start3A_37 : memref<10240x128xf32, #tpu.memory_space<vmem_shared>>) offsets(%arg10 : memref<40xi32, #tpu.memory_space<vmem>>) semaphore(%run_scoped3A : memref<!tpu.dma_semaphore, #tpu.memory_space<semaphore_mem>>) {add = true}
        %dma_wait3A_38 = arith.constant 0 : i32
        %dma_wait3A_39 = arith.constant 0 : i32
        %dma_wait3A_40 = tpu.memref_slice %arg7[%dma_wait3A_38, %dma_wait3A_39] : memref<10240x128xf32, #tpu.memory_space<vmem_shared>> -> memref<10240x128xf32, #tpu.memory_space<vmem_shared>>
        tpu.wait_indirect_dma semaphore(%run_scoped3A : memref<!tpu.dma_semaphore, #tpu.memory_space<semaphore_mem>>) src(%arg12 : memref<40x128xf32, #tpu.memory_space<vmem>>) dst(%dma_wait3A_40 : memref<10240x128xf32, #tpu.memory_space<vmem_shared>>)
        tpu.yield
      }) : () -> ()
      %lt3A = arith.constant 124 : i32
      %lt3A_30 = arith.cmpi slt, %scan3A_15, %lt3A : i32
      %convert_element_type3A = arith.extui %lt3A_30 : i1 to i32
      %cond3A = arith.constant 0 : i32
      %cond3A_31 = arith.cmpi ne, %convert_element_type3A, %cond3A : i32
      scf.if %cond3A_31 {
        %mul3A_35 = arith.constant 2 : i32
        %mul3A_36 = arith.muli %mul3A_35, %scan3A_15 : i32
        %add3A_37 = arith.constant 2 : i32
        %add3A_38 = arith.addi %mul3A_36, %add3A_37 : i32
        %mul3A_39 = arith.constant 32 : i32
        %mul3A_40 = arith.muli %add3A_38, %mul3A_39 : i32
        %add3A_41 = arith.addi %add3A, %mul3A_40 : i32
        %mul3A_42 = arith.constant 40 : i32
        %mul3A_43 = arith.muli %add3A_41, %mul3A_42 : i32
        "tpu.region"() ({
          %run_scoped3A = tpu.sem_alloc : memref<!tpu.dma_semaphore, #tpu.memory_space<semaphore_mem>>
          %dma_start3A_47 = tpu.memref_slice %arg3[%mul3A_43] : memref<320000xi32, #tpu.memory_space<hbm>> -> memref<40xi32, #tpu.memory_space<hbm>>
          %dma_start3A_48 = tpu.memref_slice %arg3[%mul3A_43] : memref<320000xi32, #tpu.memory_space<hbm>> -> memref<40xi32, #tpu.memory_space<hbm>>
          tpu.enqueue_dma source(%dma_start3A_48 : memref<40xi32, #tpu.memory_space<hbm>>) target(%arg8 : memref<40xi32, #tpu.memory_space<vmem>>) target_semaphore(%run_scoped3A : memref<!tpu.dma_semaphore, #tpu.memory_space<semaphore_mem>>)
          %dma_wait3A_49 = tpu.memref_slice %arg3[%mul3A_43] : memref<320000xi32, #tpu.memory_space<hbm>> -> memref<40xi32, #tpu.memory_space<hbm>>
          %dma_wait3A_50 = tpu.memref_slice %arg3[%mul3A_43] : memref<320000xi32, #tpu.memory_space<hbm>> -> memref<40xi32, #tpu.memory_space<hbm>>
          tpu.wait_dma2 semaphore(%run_scoped3A : memref<!tpu.dma_semaphore, #tpu.memory_space<semaphore_mem>>) src(%dma_wait3A_50 : memref<40xi32, #tpu.memory_space<hbm>>) dst(%arg8 : memref<40xi32, #tpu.memory_space<vmem>>)
          tpu.yield
        }) : () -> ()
        "tpu.region"() ({
          %run_scoped3A = tpu.sem_alloc : memref<!tpu.dma_semaphore, #tpu.memory_space<semaphore_mem>>
          %dma_start3A_47 = tpu.memref_slice %arg4[%mul3A_43] : memref<320000xi32, #tpu.memory_space<hbm>> -> memref<40xi32, #tpu.memory_space<hbm>>
          %dma_start3A_48 = tpu.memref_slice %arg4[%mul3A_43] : memref<320000xi32, #tpu.memory_space<hbm>> -> memref<40xi32, #tpu.memory_space<hbm>>
          tpu.enqueue_dma source(%dma_start3A_48 : memref<40xi32, #tpu.memory_space<hbm>>) target(%arg10 : memref<40xi32, #tpu.memory_space<vmem>>) target_semaphore(%run_scoped3A : memref<!tpu.dma_semaphore, #tpu.memory_space<semaphore_mem>>)
          %dma_wait3A_49 = tpu.memref_slice %arg4[%mul3A_43] : memref<320000xi32, #tpu.memory_space<hbm>> -> memref<40xi32, #tpu.memory_space<hbm>>
          %dma_wait3A_50 = tpu.memref_slice %arg4[%mul3A_43] : memref<320000xi32, #tpu.memory_space<hbm>> -> memref<40xi32, #tpu.memory_space<hbm>>
          tpu.wait_dma2 semaphore(%run_scoped3A : memref<!tpu.dma_semaphore, #tpu.memory_space<semaphore_mem>>) src(%dma_wait3A_50 : memref<40xi32, #tpu.memory_space<hbm>>) dst(%arg10 : memref<40xi32, #tpu.memory_space<vmem>>)
          tpu.yield
        }) : () -> ()
        %dma_start3A_44 = arith.constant 0 : i32
        %dma_start3A_45 = arith.constant 0 : i32
        %dma_start3A_46 = tpu.memref_slice %arg2[%dma_start3A_44, %dma_start3A_45] : memref<10000x128xf32, #tpu.memory_space<hbm>> -> memref<10000x128xf32, #tpu.memory_space<hbm>>
        tpu.enqueue_indirect_dma source(%dma_start3A_46 : memref<10000x128xf32, #tpu.memory_space<hbm>>) target(%arg12 : memref<40x128xf32, #tpu.memory_space<vmem>>) offsets(%arg8 : memref<40xi32, #tpu.memory_space<vmem>>) semaphore(%arg14 : memref<!tpu.dma_semaphore, #tpu.memory_space<semaphore_mem>>)
      } else {
      }
      %dma_wait3A_32 = arith.constant 0 : i32
      %dma_wait3A_33 = arith.constant 0 : i32
      %dma_wait3A_34 = tpu.memref_slice %arg2[%dma_wait3A_32, %dma_wait3A_33] : memref<10000x128xf32, #tpu.memory_space<hbm>> -> memref<10000x128xf32, #tpu.memory_space<hbm>>
      tpu.wait_indirect_dma semaphore(%arg15 : memref<!tpu.dma_semaphore, #tpu.memory_space<semaphore_mem>>) src(%dma_wait3A_34 : memref<10000x128xf32, #tpu.memory_space<hbm>>) dst(%arg13 : memref<40x128xf32, #tpu.memory_space<vmem>>)
      "tpu.region"() ({
        %run_scoped3A = tpu.sem_alloc : memref<!tpu.dma_semaphore, #tpu.memory_space<semaphore_mem>>
        %dma_start3A_35 = arith.constant 0 : i32
        %dma_start3A_36 = arith.constant 0 : i32
        %dma_start3A_37 = tpu.memref_slice %arg7[%dma_start3A_35, %dma_start3A_36] : memref<10240x128xf32, #tpu.memory_space<vmem_shared>> -> memref<10240x128xf32, #tpu.memory_space<vmem_shared>>
        tpu.enqueue_indirect_dma source(%arg13 : memref<40x128xf32, #tpu.memory_space<vmem>>) target(%dma_start3A_37 : memref<10240x128xf32, #tpu.memory_space<vmem_shared>>) offsets(%arg11 : memref<40xi32, #tpu.memory_space<vmem>>) semaphore(%run_scoped3A : memref<!tpu.dma_semaphore, #tpu.memory_space<semaphore_mem>>) {add = true}
        %dma_wait3A_38 = arith.constant 0 : i32
        %dma_wait3A_39 = arith.constant 0 : i32
        %dma_wait3A_40 = tpu.memref_slice %arg7[%dma_wait3A_38, %dma_wait3A_39] : memref<10240x128xf32, #tpu.memory_space<vmem_shared>> -> memref<10240x128xf32, #tpu.memory_space<vmem_shared>>
        tpu.wait_indirect_dma semaphore(%run_scoped3A : memref<!tpu.dma_semaphore, #tpu.memory_space<semaphore_mem>>) src(%arg13 : memref<40x128xf32, #tpu.memory_space<vmem>>) dst(%dma_wait3A_40 : memref<10240x128xf32, #tpu.memory_space<vmem_shared>>)
        tpu.yield
      }) : () -> ()
    }
    %scan3A_13 = arith.constant 125 : i32
    %barrier3A_14 = arith.constant 0 : index
    tpu.barrier barrier_id(%barrier3A_14)
    "tpu.region"() ({
      %run_scoped3A = tpu.sem_alloc : memref<!tpu.dma_semaphore, #tpu.memory_space<semaphore_mem>>
      %dma_start3A_15 = arith.constant 0 : i32
      %dma_start3A_16 = tpu.memref_slice %arg6[%arg0, %mul3A_2, %dma_start3A_15] : memref<2x10240x128xf32, #tpu.memory_space<hbm>> -> memref<1x640x128xf32, #tpu.memory_space<hbm>>
      %dma_start3A_17 = tpu.memref_squeeze %dma_start3A_16 : memref<1x640x128xf32, #tpu.memory_space<hbm>> -> memref<640x128xf32, #tpu.memory_space<hbm>>
      %dma_start3A_18 = arith.constant 0 : i32
      %dma_start3A_19 = tpu.memref_slice %arg7[%mul3A_2, %dma_start3A_18] : memref<10240x128xf32, #tpu.memory_space<vmem_shared>> -> memref<640x128xf32, #tpu.memory_space<vmem_shared>>
      tpu.enqueue_dma source(%dma_start3A_19 : memref<640x128xf32, #tpu.memory_space<vmem_shared>>) target(%dma_start3A_17 : memref<640x128xf32, #tpu.memory_space<hbm>>) target_semaphore(%run_scoped3A : memref<!tpu.dma_semaphore, #tpu.memory_space<semaphore_mem>>)
      %dma_wait3A = arith.constant 0 : i32
      %dma_wait3A_20 = tpu.memref_slice %arg6[%arg0, %mul3A_2, %dma_wait3A] : memref<2x10240x128xf32, #tpu.memory_space<hbm>> -> memref<1x640x128xf32, #tpu.memory_space<hbm>>
      %dma_wait3A_21 = tpu.memref_squeeze %dma_wait3A_20 : memref<1x640x128xf32, #tpu.memory_space<hbm>> -> memref<640x128xf32, #tpu.memory_space<hbm>>
      %dma_wait3A_22 = arith.constant 0 : i32
      %dma_wait3A_23 = tpu.memref_slice %arg7[%mul3A_2, %dma_wait3A_22] : memref<10240x128xf32, #tpu.memory_space<vmem_shared>> -> memref<640x128xf32, #tpu.memory_space<vmem_shared>>
      tpu.wait_dma2 semaphore(%run_scoped3A : memref<!tpu.dma_semaphore, #tpu.memory_space<semaphore_mem>>) src(%dma_wait3A_23 : memref<640x128xf32, #tpu.memory_space<vmem_shared>>) dst(%dma_wait3A_21 : memref<640x128xf32, #tpu.memory_space<hbm>>)
      tpu.yield
    }) : () -> ()
    return
  }
}

#map = affine_map<(d0, d1) -> (0, 0)>
#map1 = affine_map<(d0, d1) -> (0)>
#map2 = affine_map<(d0, d1) -> (0, 0, 0)>
module attributes {stable_mosaic.version = 14 : i64} {
  func.func @_agg_body(%arg0: i32, %arg1: i32, %arg2: memref<10000x128xf32, #tpu.memory_space<hbm>>, %arg3: memref<320000xi32, #tpu.memory_space<hbm>>, %arg4: memref<320000xi32, #tpu.memory_space<hbm>>, %arg5: memref<10240x128xf32, #tpu.memory_space<hbm>>, %arg6: memref<2x10240x128xf32, #tpu.memory_space<hbm>>, %arg7: memref<10240x128xf32, #tpu.memory_space<vmem_shared>>, %arg8: memref<40xi32, #tpu.memory_space<vmem>>, %arg9: memref<40xi32, #tpu.memory_space<vmem>>, %arg10: memref<40xi32, #tpu.memory_space<vmem>>, %arg11: memref<40xi32, #tpu.memory_space<vmem>>, %arg12: memref<40x128xf32, #tpu.memory_space<vmem>>, %arg13: memref<40x128xf32, #tpu.memory_space<vmem>>, %arg14: memref<!tpu.dma_semaphore, #tpu.memory_space<semaphore_mem>>, %arg15: memref<!tpu.dma_semaphore, #tpu.memory_space<semaphore_mem>>) attributes {dimension_semantics = [#tpu.dimension_semantics<core_parallel>, #tpu.dimension_semantics<subcore_parallel>], iteration_bounds = array<i64: 2, 16>, scalar_prefetch = 0 : i64, scratch_operands = 9 : i64, tpu.core_type = #tpu.core_type<sc_vector_subcore>, window_params = [{transform_indices = #map}, {transform_indices = #map1}, {transform_indices = #map1}, {transform_indices = #map}, {transform_indices = #map2}]} {
    %mul3A = arith.constant 2 : i32
    %mul3A_0 = arith.muli %arg1, %mul3A : i32
    %add3A = arith.addi %mul3A_0, %arg0 : i32
    %mul3A_1 = arith.constant 640 : i32
    %mul3A_2 = arith.muli %arg1, %mul3A_1 : i32
    "tpu.region"() ({
      %run_scoped3A = tpu.sem_alloc : memref<!tpu.dma_semaphore, #tpu.memory_space<semaphore_mem>>
      %dma_start3A_15 = arith.constant 0 : i32
      %dma_start3A_16 = tpu.memref_slice %arg7[%mul3A_2, %dma_start3A_15] : memref<10240x128xf32, #tpu.memory_space<vmem_shared>> -> memref<640x128xf32, #tpu.memory_space<vmem_shared>>
      %dma_start3A_17 = arith.constant 0 : i32
      %dma_start3A_18 = tpu.memref_slice %arg5[%mul3A_2, %dma_start3A_17] : memref<10240x128xf32, #tpu.memory_space<hbm>> -> memref<640x128xf32, #tpu.memory_space<hbm>>
      tpu.enqueue_dma source(%dma_start3A_18 : memref<640x128xf32, #tpu.memory_space<hbm>>) target(%dma_start3A_16 : memref<640x128xf32, #tpu.memory_space<vmem_shared>>) target_semaphore(%run_scoped3A : memref<!tpu.dma_semaphore, #tpu.memory_space<semaphore_mem>>)
      %dma_wait3A = arith.constant 0 : i32
      %dma_wait3A_19 = tpu.memref_slice %arg7[%mul3A_2, %dma_wait3A] : memref<10240x128xf32, #tpu.memory_space<vmem_shared>> -> memref<640x128xf32, #tpu.memory_space<vmem_shared>>
      %dma_wait3A_20 = arith.constant 0 : i32
      %dma_wait3A_21 = tpu.memref_slice %arg5[%mul3A_2, %dma_wait3A_20] : memref<10240x128xf32, #tpu.memory_space<hbm>> -> memref<640x128xf32, #tpu.memory_space<hbm>>
      tpu.wait_dma2 semaphore(%run_scoped3A : memref<!tpu.dma_semaphore, #tpu.memory_space<semaphore_mem>>) src(%dma_wait3A_21 : memref<640x128xf32, #tpu.memory_space<hbm>>) dst(%dma_wait3A_19 : memref<640x128xf32, #tpu.memory_space<vmem_shared>>)
      tpu.yield
    }) : () -> ()
    %barrier3A = arith.constant 0 : index
    tpu.barrier barrier_id(%barrier3A)
    %add3A_3 = arith.constant 0 : i32
    %add3A_4 = arith.addi %add3A, %add3A_3 : i32
    %mul3A_5 = arith.constant 40 : i32
    %mul3A_6 = arith.muli %add3A_4, %mul3A_5 : i32
    "tpu.region"() ({
      %run_scoped3A = tpu.sem_alloc : memref<!tpu.dma_semaphore, #tpu.memory_space<semaphore_mem>>
      %dma_start3A_15 = tpu.memref_slice %arg3[%mul3A_6] : memref<320000xi32, #tpu.memory_space<hbm>> -> memref<40xi32, #tpu.memory_space<hbm>>
      %dma_start3A_16 = tpu.memref_slice %arg3[%mul3A_6] : memref<320000xi32, #tpu.memory_space<hbm>> -> memref<40xi32, #tpu.memory_space<hbm>>
      tpu.enqueue_dma source(%dma_start3A_16 : memref<40xi32, #tpu.memory_space<hbm>>) target(%arg8 : memref<40xi32, #tpu.memory_space<vmem>>) target_semaphore(%run_scoped3A : memref<!tpu.dma_semaphore, #tpu.memory_space<semaphore_mem>>)
      %dma_wait3A = tpu.memref_slice %arg3[%mul3A_6] : memref<320000xi32, #tpu.memory_space<hbm>> -> memref<40xi32, #tpu.memory_space<hbm>>
      %dma_wait3A_17 = tpu.memref_slice %arg3[%mul3A_6] : memref<320000xi32, #tpu.memory_space<hbm>> -> memref<40xi32, #tpu.memory_space<hbm>>
      tpu.wait_dma2 semaphore(%run_scoped3A : memref<!tpu.dma_semaphore, #tpu.memory_space<semaphore_mem>>) src(%dma_wait3A_17 : memref<40xi32, #tpu.memory_space<hbm>>) dst(%arg8 : memref<40xi32, #tpu.memory_space<vmem>>)
      tpu.yield
    }) : () -> ()
    "tpu.region"() ({
      %run_scoped3A = tpu.sem_alloc : memref<!tpu.dma_semaphore, #tpu.memory_space<semaphore_mem>>
      %dma_start3A_15 = tpu.memref_slice %arg4[%mul3A_6] : memref<320000xi32, #tpu.memory_space<hbm>> -> memref<40xi32, #tpu.memory_space<hbm>>
      %dma_start3A_16 = tpu.memref_slice %arg4[%mul3A_6] : memref<320000xi32, #tpu.memory_space<hbm>> -> memref<40xi32, #tpu.memory_space<hbm>>
      tpu.enqueue_dma source(%dma_start3A_16 : memref<40xi32, #tpu.memory_space<hbm>>) target(%arg10 : memref<40xi32, #tpu.memory_space<vmem>>) target_semaphore(%run_scoped3A : memref<!tpu.dma_semaphore, #tpu.memory_space<semaphore_mem>>)
      %dma_wait3A = tpu.memref_slice %arg4[%mul3A_6] : memref<320000xi32, #tpu.memory_space<hbm>> -> memref<40xi32, #tpu.memory_space<hbm>>
      %dma_wait3A_17 = tpu.memref_slice %arg4[%mul3A_6] : memref<320000xi32, #tpu.memory_space<hbm>> -> memref<40xi32, #tpu.memory_space<hbm>>
      tpu.wait_dma2 semaphore(%run_scoped3A : memref<!tpu.dma_semaphore, #tpu.memory_space<semaphore_mem>>) src(%dma_wait3A_17 : memref<40xi32, #tpu.memory_space<hbm>>) dst(%arg10 : memref<40xi32, #tpu.memory_space<vmem>>)
      tpu.yield
    }) : () -> ()
    %dma_start3A = arith.constant 0 : i32
    %dma_start3A_7 = arith.constant 0 : i32
    %dma_start3A_8 = tpu.memref_slice %arg2[%dma_start3A, %dma_start3A_7] : memref<10000x128xf32, #tpu.memory_space<hbm>> -> memref<10000x128xf32, #tpu.memory_space<hbm>>
    tpu.enqueue_indirect_dma source(%dma_start3A_8 : memref<10000x128xf32, #tpu.memory_space<hbm>>) target(%arg12 : memref<40x128xf32, #tpu.memory_space<vmem>>) offsets(%arg8 : memref<40xi32, #tpu.memory_space<vmem>>) semaphore(%arg14 : memref<!tpu.dma_semaphore, #tpu.memory_space<semaphore_mem>>)
    %scan3A = arith.constant 0 : i32
    %scan3A_9 = arith.constant 0 : i32
    %scan3A_10 = arith.constant 125 : i32
    %scan3A_11 = arith.addi %scan3A_9, %scan3A_10 : i32
    %scan3A_12 = arith.constant 1 : i32
    scf.for %scan3A_15 = %scan3A_9 to %scan3A_11 step %scan3A_12  : i32 {
      %mul3A_16 = arith.constant 2 : i32
      %mul3A_17 = arith.muli %mul3A_16, %scan3A_15 : i32
      %add3A_18 = arith.constant 1 : i32
      %add3A_19 = arith.addi %mul3A_17, %add3A_18 : i32
      %mul3A_20 = arith.constant 32 : i32
      %mul3A_21 = arith.muli %add3A_19, %mul3A_20 : i32
      %add3A_22 = arith.addi %add3A, %mul3A_21 : i32
      %mul3A_23 = arith.constant 40 : i32
      %mul3A_24 = arith.muli %add3A_22, %mul3A_23 : i32
      "tpu.region"() ({
        %run_scoped3A = tpu.sem_alloc : memref<!tpu.dma_semaphore, #tpu.memory_space<semaphore_mem>>
        %dma_start3A_35 = tpu.memref_slice %arg3[%mul3A_24] : memref<320000xi32, #tpu.memory_space<hbm>> -> memref<40xi32, #tpu.memory_space<hbm>>
        %dma_start3A_36 = tpu.memref_slice %arg3[%mul3A_24] : memref<320000xi32, #tpu.memory_space<hbm>> -> memref<40xi32, #tpu.memory_space<hbm>>
        tpu.enqueue_dma source(%dma_start3A_36 : memref<40xi32, #tpu.memory_space<hbm>>) target(%arg9 : memref<40xi32, #tpu.memory_space<vmem>>) target_semaphore(%run_scoped3A : memref<!tpu.dma_semaphore, #tpu.memory_space<semaphore_mem>>)
        %dma_wait3A_37 = tpu.memref_slice %arg3[%mul3A_24] : memref<320000xi32, #tpu.memory_space<hbm>> -> memref<40xi32, #tpu.memory_space<hbm>>
        %dma_wait3A_38 = tpu.memref_slice %arg3[%mul3A_24] : memref<320000xi32, #tpu.memory_space<hbm>> -> memref<40xi32, #tpu.memory_space<hbm>>
        tpu.wait_dma2 semaphore(%run_scoped3A : memref<!tpu.dma_semaphore, #tpu.memory_space<semaphore_mem>>) src(%dma_wait3A_38 : memref<40xi32, #tpu.memory_space<hbm>>) dst(%arg9 : memref<40xi32, #tpu.memory_space<vmem>>)
        tpu.yield
      }) : () -> ()
      "tpu.region"() ({
        %run_scoped3A = tpu.sem_alloc : memref<!tpu.dma_semaphore, #tpu.memory_space<semaphore_mem>>
        %dma_start3A_35 = tpu.memref_slice %arg4[%mul3A_24] : memref<320000xi32, #tpu.memory_space<hbm>> -> memref<40xi32, #tpu.memory_space<hbm>>
        %dma_start3A_36 = tpu.memref_slice %arg4[%mul3A_24] : memref<320000xi32, #tpu.memory_space<hbm>> -> memref<40xi32, #tpu.memory_space<hbm>>
        tpu.enqueue_dma source(%dma_start3A_36 : memref<40xi32, #tpu.memory_space<hbm>>) target(%arg11 : memref<40xi32, #tpu.memory_space<vmem>>) target_semaphore(%run_scoped3A : memref<!tpu.dma_semaphore, #tpu.memory_space<semaphore_mem>>)
        %dma_wait3A_37 = tpu.memref_slice %arg4[%mul3A_24] : memref<320000xi32, #tpu.memory_space<hbm>> -> memref<40xi32, #tpu.memory_space<hbm>>
        %dma_wait3A_38 = tpu.memref_slice %arg4[%mul3A_24] : memref<320000xi32, #tpu.memory_space<hbm>> -> memref<40xi32, #tpu.memory_space<hbm>>
        tpu.wait_dma2 semaphore(%run_scoped3A : memref<!tpu.dma_semaphore, #tpu.memory_space<semaphore_mem>>) src(%dma_wait3A_38 : memref<40xi32, #tpu.memory_space<hbm>>) dst(%arg11 : memref<40xi32, #tpu.memory_space<vmem>>)
        tpu.yield
      }) : () -> ()
      %dma_start3A_25 = arith.constant 0 : i32
      %dma_start3A_26 = arith.constant 0 : i32
      %dma_start3A_27 = tpu.memref_slice %arg2[%dma_start3A_25, %dma_start3A_26] : memref<10000x128xf32, #tpu.memory_space<hbm>> -> memref<10000x128xf32, #tpu.memory_space<hbm>>
      tpu.enqueue_indirect_dma source(%dma_start3A_27 : memref<10000x128xf32, #tpu.memory_space<hbm>>) target(%arg13 : memref<40x128xf32, #tpu.memory_space<vmem>>) offsets(%arg9 : memref<40xi32, #tpu.memory_space<vmem>>) semaphore(%arg15 : memref<!tpu.dma_semaphore, #tpu.memory_space<semaphore_mem>>)
      %dma_wait3A = arith.constant 0 : i32
      %dma_wait3A_28 = arith.constant 0 : i32
      %dma_wait3A_29 = tpu.memref_slice %arg2[%dma_wait3A, %dma_wait3A_28] : memref<10000x128xf32, #tpu.memory_space<hbm>> -> memref<10000x128xf32, #tpu.memory_space<hbm>>
      tpu.wait_indirect_dma semaphore(%arg14 : memref<!tpu.dma_semaphore, #tpu.memory_space<semaphore_mem>>) src(%dma_wait3A_29 : memref<10000x128xf32, #tpu.memory_space<hbm>>) dst(%arg12 : memref<40x128xf32, #tpu.memory_space<vmem>>)
      "tpu.region"() ({
        %run_scoped3A = tpu.sem_alloc : memref<!tpu.dma_semaphore, #tpu.memory_space<semaphore_mem>>
        %dma_start3A_35 = arith.constant 0 : i32
        %dma_start3A_36 = arith.constant 0 : i32
        %dma_start3A_37 = tpu.memref_slice %arg7[%dma_start3A_35, %dma_start3A_36] : memref<10240x128xf32, #tpu.memory_space<vmem_shared>> -> memref<10240x128xf32, #tpu.memory_space<vmem_shared>>
        tpu.enqueue_indirect_dma source(%arg12 : memref<40x128xf32, #tpu.memory_space<vmem>>) target(%dma_start3A_37 : memref<10240x128xf32, #tpu.memory_space<vmem_shared>>) offsets(%arg10 : memref<40xi32, #tpu.memory_space<vmem>>) semaphore(%run_scoped3A : memref<!tpu.dma_semaphore, #tpu.memory_space<semaphore_mem>>) {add = true}
        %dma_wait3A_38 = arith.constant 0 : i32
        %dma_wait3A_39 = arith.constant 0 : i32
        %dma_wait3A_40 = tpu.memref_slice %arg7[%dma_wait3A_38, %dma_wait3A_39] : memref<10240x128xf32, #tpu.memory_space<vmem_shared>> -> memref<10240x128xf32, #tpu.memory_space<vmem_shared>>
        tpu.wait_indirect_dma semaphore(%run_scoped3A : memref<!tpu.dma_semaphore, #tpu.memory_space<semaphore_mem>>) src(%arg12 : memref<40x128xf32, #tpu.memory_space<vmem>>) dst(%dma_wait3A_40 : memref<10240x128xf32, #tpu.memory_space<vmem_shared>>)
        tpu.yield
      }) : () -> ()
      %lt3A = arith.constant 124 : i32
      %lt3A_30 = arith.cmpi slt, %scan3A_15, %lt3A : i32
      %convert_element_type3A = arith.extui %lt3A_30 : i1 to i32
      %cond3A = arith.constant 0 : i32
      %cond3A_31 = arith.cmpi ne, %convert_element_type3A, %cond3A : i32
      scf.if %cond3A_31 {
        %mul3A_35 = arith.constant 2 : i32
        %mul3A_36 = arith.muli %mul3A_35, %scan3A_15 : i32
        %add3A_37 = arith.constant 2 : i32
        %add3A_38 = arith.addi %mul3A_36, %add3A_37 : i32
        %mul3A_39 = arith.constant 32 : i32
        %mul3A_40 = arith.muli %add3A_38, %mul3A_39 : i32
        %add3A_41 = arith.addi %add3A, %mul3A_40 : i32
        %mul3A_42 = arith.constant 40 : i32
        %mul3A_43 = arith.muli %add3A_41, %mul3A_42 : i32
        "tpu.region"() ({
          %run_scoped3A = tpu.sem_alloc : memref<!tpu.dma_semaphore, #tpu.memory_space<semaphore_mem>>
          %dma_start3A_47 = tpu.memref_slice %arg3[%mul3A_43] : memref<320000xi32, #tpu.memory_space<hbm>> -> memref<40xi32, #tpu.memory_space<hbm>>
          %dma_start3A_48 = tpu.memref_slice %arg3[%mul3A_43] : memref<320000xi32, #tpu.memory_space<hbm>> -> memref<40xi32, #tpu.memory_space<hbm>>
          tpu.enqueue_dma source(%dma_start3A_48 : memref<40xi32, #tpu.memory_space<hbm>>) target(%arg8 : memref<40xi32, #tpu.memory_space<vmem>>) target_semaphore(%run_scoped3A : memref<!tpu.dma_semaphore, #tpu.memory_space<semaphore_mem>>)
          %dma_wait3A_49 = tpu.memref_slice %arg3[%mul3A_43] : memref<320000xi32, #tpu.memory_space<hbm>> -> memref<40xi32, #tpu.memory_space<hbm>>
          %dma_wait3A_50 = tpu.memref_slice %arg3[%mul3A_43] : memref<320000xi32, #tpu.memory_space<hbm>> -> memref<40xi32, #tpu.memory_space<hbm>>
          tpu.wait_dma2 semaphore(%run_scoped3A : memref<!tpu.dma_semaphore, #tpu.memory_space<semaphore_mem>>) src(%dma_wait3A_50 : memref<40xi32, #tpu.memory_space<hbm>>) dst(%arg8 : memref<40xi32, #tpu.memory_space<vmem>>)
          tpu.yield
        }) : () -> ()
        "tpu.region"() ({
          %run_scoped3A = tpu.sem_alloc : memref<!tpu.dma_semaphore, #tpu.memory_space<semaphore_mem>>
          %dma_start3A_47 = tpu.memref_slice %arg4[%mul3A_43] : memref<320000xi32, #tpu.memory_space<hbm>> -> memref<40xi32, #tpu.memory_space<hbm>>
          %dma_start3A_48 = tpu.memref_slice %arg4[%mul3A_43] : memref<320000xi32, #tpu.memory_space<hbm>> -> memref<40xi32, #tpu.memory_space<hbm>>
          tpu.enqueue_dma source(%dma_start3A_48 : memref<40xi32, #tpu.memory_space<hbm>>) target(%arg10 : memref<40xi32, #tpu.memory_space<vmem>>) target_semaphore(%run_scoped3A : memref<!tpu.dma_semaphore, #tpu.memory_space<semaphore_mem>>)
          %dma_wait3A_49 = tpu.memref_slice %arg4[%mul3A_43] : memref<320000xi32, #tpu.memory_space<hbm>> -> memref<40xi32, #tpu.memory_space<hbm>>
          %dma_wait3A_50 = tpu.memref_slice %arg4[%mul3A_43] : memref<320000xi32, #tpu.memory_space<hbm>> -> memref<40xi32, #tpu.memory_space<hbm>>
          tpu.wait_dma2 semaphore(%run_scoped3A : memref<!tpu.dma_semaphore, #tpu.memory_space<semaphore_mem>>) src(%dma_wait3A_50 : memref<40xi32, #tpu.memory_space<hbm>>) dst(%arg10 : memref<40xi32, #tpu.memory_space<vmem>>)
          tpu.yield
        }) : () -> ()
        %dma_start3A_44 = arith.constant 0 : i32
        %dma_start3A_45 = arith.constant 0 : i32
        %dma_start3A_46 = tpu.memref_slice %arg2[%dma_start3A_44, %dma_start3A_45] : memref<10000x128xf32, #tpu.memory_space<hbm>> -> memref<10000x128xf32, #tpu.memory_space<hbm>>
        tpu.enqueue_indirect_dma source(%dma_start3A_46 : memref<10000x128xf32, #tpu.memory_space<hbm>>) target(%arg12 : memref<40x128xf32, #tpu.memory_space<vmem>>) offsets(%arg8 : memref<40xi32, #tpu.memory_space<vmem>>) semaphore(%arg14 : memref<!tpu.dma_semaphore, #tpu.memory_space<semaphore_mem>>)
      } else {
      }
      %dma_wait3A_32 = arith.constant 0 : i32
      %dma_wait3A_33 = arith.constant 0 : i32
      %dma_wait3A_34 = tpu.memref_slice %arg2[%dma_wait3A_32, %dma_wait3A_33] : memref<10000x128xf32, #tpu.memory_space<hbm>> -> memref<10000x128xf32, #tpu.memory_space<hbm>>
      tpu.wait_indirect_dma semaphore(%arg15 : memref<!tpu.dma_semaphore, #tpu.memory_space<semaphore_mem>>) src(%dma_wait3A_34 : memref<10000x128xf32, #tpu.memory_space<hbm>>) dst(%arg13 : memref<40x128xf32, #tpu.memory_space<vmem>>)
      "tpu.region"() ({
        %run_scoped3A = tpu.sem_alloc : memref<!tpu.dma_semaphore, #tpu.memory_space<semaphore_mem>>
        %dma_start3A_35 = arith.constant 0 : i32
        %dma_start3A_36 = arith.constant 0 : i32
        %dma_start3A_37 = tpu.memref_slice %arg7[%dma_start3A_35, %dma_start3A_36] : memref<10240x128xf32, #tpu.memory_space<vmem_shared>> -> memref<10240x128xf32, #tpu.memory_space<vmem_shared>>
        tpu.enqueue_indirect_dma source(%arg13 : memref<40x128xf32, #tpu.memory_space<vmem>>) target(%dma_start3A_37 : memref<10240x128xf32, #tpu.memory_space<vmem_shared>>) offsets(%arg11 : memref<40xi32, #tpu.memory_space<vmem>>) semaphore(%run_scoped3A : memref<!tpu.dma_semaphore, #tpu.memory_space<semaphore_mem>>) {add = true}
        %dma_wait3A_38 = arith.constant 0 : i32
        %dma_wait3A_39 = arith.constant 0 : i32
        %dma_wait3A_40 = tpu.memref_slice %arg7[%dma_wait3A_38, %dma_wait3A_39] : memref<10240x128xf32, #tpu.memory_space<vmem_shared>> -> memref<10240x128xf32, #tpu.memory_space<vmem_shared>>
        tpu.wait_indirect_dma semaphore(%run_scoped3A : memref<!tpu.dma_semaphore, #tpu.memory_space<semaphore_mem>>) src(%arg13 : memref<40x128xf32, #tpu.memory_space<vmem>>) dst(%dma_wait3A_40 : memref<10240x128xf32, #tpu.memory_space<vmem_shared>>)
        tpu.yield
      }) : () -> ()
    }
    %scan3A_13 = arith.constant 125 : i32
    %barrier3A_14 = arith.constant 0 : index
    tpu.barrier barrier_id(%barrier3A_14)
    "tpu.region"() ({
      %run_scoped3A = tpu.sem_alloc : memref<!tpu.dma_semaphore, #tpu.memory_space<semaphore_mem>>
      %dma_start3A_15 = arith.constant 0 : i32
      %dma_start3A_16 = tpu.memref_slice %arg6[%arg0, %mul3A_2, %dma_start3A_15] : memref<2x10240x128xf32, #tpu.memory_space<hbm>> -> memref<1x640x128xf32, #tpu.memory_space<hbm>>
      %dma_start3A_17 = tpu.memref_squeeze %dma_start3A_16 : memref<1x640x128xf32, #tpu.memory_space<hbm>> -> memref<640x128xf32, #tpu.memory_space<hbm>>
      %dma_start3A_18 = arith.constant 0 : i32
      %dma_start3A_19 = tpu.memref_slice %arg7[%mul3A_2, %dma_start3A_18] : memref<10240x128xf32, #tpu.memory_space<vmem_shared>> -> memref<640x128xf32, #tpu.memory_space<vmem_shared>>
      tpu.enqueue_dma source(%dma_start3A_19 : memref<640x128xf32, #tpu.memory_space<vmem_shared>>) target(%dma_start3A_17 : memref<640x128xf32, #tpu.memory_space<hbm>>) target_semaphore(%run_scoped3A : memref<!tpu.dma_semaphore, #tpu.memory_space<semaphore_mem>>)
      %dma_wait3A = arith.constant 0 : i32
      %dma_wait3A_20 = tpu.memref_slice %arg6[%arg0, %mul3A_2, %dma_wait3A] : memref<2x10240x128xf32, #tpu.memory_space<hbm>> -> memref<1x640x128xf32, #tpu.memory_space<hbm>>
      %dma_wait3A_21 = tpu.memref_squeeze %dma_wait3A_20 : memref<1x640x128xf32, #tpu.memory_space<hbm>> -> memref<640x128xf32, #tpu.memory_space<hbm>>
      %dma_wait3A_22 = arith.constant 0 : i32
      %dma_wait3A_23 = tpu.memref_slice %arg7[%mul3A_2, %dma_wait3A_22] : memref<10240x128xf32, #tpu.memory_space<vmem_shared>> -> memref<640x128xf32, #tpu.memory_space<vmem_shared>>
      tpu.wait_dma2 semaphore(%run_scoped3A : memref<!tpu.dma_semaphore, #tpu.memory_space<semaphore_mem>>) src(%dma_wait3A_23 : memref<640x128xf32, #tpu.memory_space<vmem_shared>>) dst(%dma_wait3A_21 : memref<640x128xf32, #tpu.memory_space<hbm>>)
      tpu.yield
    }) : () -> ()
    return
  }
}

#map = affine_map<(d0, d1) -> (0)>
#map1 = affine_map<(d0, d1) -> (0, 0)>
#map2 = affine_map<(d0, d1) -> (0, 0, 0)>
module attributes {stable_mosaic.version = 14 : i64} {
  func.func @_cnt_body(%arg0: i32, %arg1: i32, %arg2: memref<320000xi32, #tpu.memory_space<hbm>>, %arg3: memref<10240x128xf32, #tpu.memory_space<hbm>>, %arg4: memref<2x10240x128xf32, #tpu.memory_space<hbm>>, %arg5: memref<10240x128xf32, #tpu.memory_space<vmem_shared>>, %arg6: memref<40xi32, #tpu.memory_space<vmem>>, %arg7: memref<40xi32, #tpu.memory_space<vmem>>, %arg8: memref<40x128xf32, #tpu.memory_space<vmem>>, %arg9: memref<!tpu.dma_semaphore, #tpu.memory_space<semaphore_mem>>, %arg10: memref<!tpu.dma_semaphore, #tpu.memory_space<semaphore_mem>>) attributes {dimension_semantics = [#tpu.dimension_semantics<core_parallel>, #tpu.dimension_semantics<subcore_parallel>], iteration_bounds = array<i64: 2, 16>, scalar_prefetch = 0 : i64, scratch_operands = 6 : i64, tpu.core_type = #tpu.core_type<sc_vector_subcore>, window_params = [{transform_indices = #map}, {transform_indices = #map1}, {transform_indices = #map2}]} {
    %mul3A = arith.constant 2 : i32
    %mul3A_0 = arith.muli %arg1, %mul3A : i32
    %add3A = arith.addi %mul3A_0, %arg0 : i32
    %mul3A_1 = arith.constant 640 : i32
    %mul3A_2 = arith.muli %arg1, %mul3A_1 : i32
    "tpu.region"() ({
      %run_scoped3A = tpu.sem_alloc : memref<!tpu.dma_semaphore, #tpu.memory_space<semaphore_mem>>
      %dma_start3A_21 = arith.constant 0 : i32
      %dma_start3A_22 = tpu.memref_slice %arg5[%mul3A_2, %dma_start3A_21] : memref<10240x128xf32, #tpu.memory_space<vmem_shared>> -> memref<640x128xf32, #tpu.memory_space<vmem_shared>>
      %dma_start3A_23 = arith.constant 0 : i32
      %dma_start3A_24 = tpu.memref_slice %arg3[%mul3A_2, %dma_start3A_23] : memref<10240x128xf32, #tpu.memory_space<hbm>> -> memref<640x128xf32, #tpu.memory_space<hbm>>
      tpu.enqueue_dma source(%dma_start3A_24 : memref<640x128xf32, #tpu.memory_space<hbm>>) target(%dma_start3A_22 : memref<640x128xf32, #tpu.memory_space<vmem_shared>>) target_semaphore(%run_scoped3A : memref<!tpu.dma_semaphore, #tpu.memory_space<semaphore_mem>>)
      %dma_wait3A = arith.constant 0 : i32
      %dma_wait3A_25 = tpu.memref_slice %arg5[%mul3A_2, %dma_wait3A] : memref<10240x128xf32, #tpu.memory_space<vmem_shared>> -> memref<640x128xf32, #tpu.memory_space<vmem_shared>>
      %dma_wait3A_26 = arith.constant 0 : i32
      %dma_wait3A_27 = tpu.memref_slice %arg3[%mul3A_2, %dma_wait3A_26] : memref<10240x128xf32, #tpu.memory_space<hbm>> -> memref<640x128xf32, #tpu.memory_space<hbm>>
      tpu.wait_dma2 semaphore(%run_scoped3A : memref<!tpu.dma_semaphore, #tpu.memory_space<semaphore_mem>>) src(%dma_wait3A_27 : memref<640x128xf32, #tpu.memory_space<hbm>>) dst(%dma_wait3A_25 : memref<640x128xf32, #tpu.memory_space<vmem_shared>>)
      tpu.yield
    }) : () -> ()
    %broadcast_in_dim3A = arith.constant 1.000000e+00 : f32
    %broadcast_in_dim3A_3 = vector.broadcast %broadcast_in_dim3A : f32 to vector<16xf32>
    %scan3A = arith.constant 0 : i32
    %scan3A_4 = arith.constant 0 : i32
    %scan3A_5 = arith.constant 40 : i32
    %scan3A_6 = arith.addi %scan3A_4, %scan3A_5 : i32
    %scan3A_7 = arith.constant 1 : i32
    scf.for %scan3A_21 = %scan3A_4 to %scan3A_6 step %scan3A_7  : i32 {
      %swap3A = arith.index_cast %scan3A_21 : i32 to index
      %swap3A_22 = arith.constant 0 : index
      %swap3A_23 = tpu.vector_load %arg8[%swap3A, %swap3A_22] {strides = array<i32>} : memref<40x128xf32, #tpu.memory_space<vmem>>, vector<1x16xf32>,
      %swap3A_24 = vector.shape_cast %swap3A_23 : vector<1x16xf32> to vector<16xf32>
      %swap3A_25 = vector.shape_cast %broadcast_in_dim3A_3 : vector<16xf32> to vector<1x16xf32>
      tpu.vector_store %arg8[%swap3A, %swap3A_22], %swap3A_25 {strides = array<i32>} : memref<40x128xf32, #tpu.memory_space<vmem>>, vector<1x16xf32>,
      %swap3A_26 = arith.index_cast %scan3A_21 : i32 to index
      %swap3A_27 = arith.constant 16 : index
      %swap3A_28 = tpu.vector_load %arg8[%swap3A_26, %swap3A_27] {strides = array<i32>} : memref<40x128xf32, #tpu.memory_space<vmem>>, vector<1x16xf32>,
      %swap3A_29 = vector.shape_cast %swap3A_28 : vector<1x16xf32> to vector<16xf32>
      %swap3A_30 = vector.shape_cast %broadcast_in_dim3A_3 : vector<16xf32> to vector<1x16xf32>
      tpu.vector_store %arg8[%swap3A_26, %swap3A_27], %swap3A_30 {strides = array<i32>} : memref<40x128xf32, #tpu.memory_space<vmem>>, vector<1x16xf32>,
      %swap3A_31 = arith.index_cast %scan3A_21 : i32 to index
      %swap3A_32 = arith.constant 32 : index
      %swap3A_33 = tpu.vector_load %arg8[%swap3A_31, %swap3A_32] {strides = array<i32>} : memref<40x128xf32, #tpu.memory_space<vmem>>, vector<1x16xf32>,
      %swap3A_34 = vector.shape_cast %swap3A_33 : vector<1x16xf32> to vector<16xf32>
      %swap3A_35 = vector.shape_cast %broadcast_in_dim3A_3 : vector<16xf32> to vector<1x16xf32>
      tpu.vector_store %arg8[%swap3A_31, %swap3A_32], %swap3A_35 {strides = array<i32>} : memref<40x128xf32, #tpu.memory_space<vmem>>, vector<1x16xf32>,
      %swap3A_36 = arith.index_cast %scan3A_21 : i32 to index
      %swap3A_37 = arith.constant 48 : index
      %swap3A_38 = tpu.vector_load %arg8[%swap3A_36, %swap3A_37] {strides = array<i32>} : memref<40x128xf32, #tpu.memory_space<vmem>>, vector<1x16xf32>,
      %swap3A_39 = vector.shape_cast %swap3A_38 : vector<1x16xf32> to vector<16xf32>
      %swap3A_40 = vector.shape_cast %broadcast_in_dim3A_3 : vector<16xf32> to vector<1x16xf32>
      tpu.vector_store %arg8[%swap3A_36, %swap3A_37], %swap3A_40 {strides = array<i32>} : memref<40x128xf32, #tpu.memory_space<vmem>>, vector<1x16xf32>,
      %swap3A_41 = arith.index_cast %scan3A_21 : i32 to index
      %swap3A_42 = arith.constant 64 : index
      %swap3A_43 = tpu.vector_load %arg8[%swap3A_41, %swap3A_42] {strides = array<i32>} : memref<40x128xf32, #tpu.memory_space<vmem>>, vector<1x16xf32>,
      %swap3A_44 = vector.shape_cast %swap3A_43 : vector<1x16xf32> to vector<16xf32>
      %swap3A_45 = vector.shape_cast %broadcast_in_dim3A_3 : vector<16xf32> to vector<1x16xf32>
      tpu.vector_store %arg8[%swap3A_41, %swap3A_42], %swap3A_45 {strides = array<i32>} : memref<40x128xf32, #tpu.memory_space<vmem>>, vector<1x16xf32>,
      %swap3A_46 = arith.index_cast %scan3A_21 : i32 to index
      %swap3A_47 = arith.constant 80 : index
      %swap3A_48 = tpu.vector_load %arg8[%swap3A_46, %swap3A_47] {strides = array<i32>} : memref<40x128xf32, #tpu.memory_space<vmem>>, vector<1x16xf32>,
      %swap3A_49 = vector.shape_cast %swap3A_48 : vector<1x16xf32> to vector<16xf32>
      %swap3A_50 = vector.shape_cast %broadcast_in_dim3A_3 : vector<16xf32> to vector<1x16xf32>
      tpu.vector_store %arg8[%swap3A_46, %swap3A_47], %swap3A_50 {strides = array<i32>} : memref<40x128xf32, #tpu.memory_space<vmem>>, vector<1x16xf32>,
      %swap3A_51 = arith.index_cast %scan3A_21 : i32 to index
      %swap3A_52 = arith.constant 96 : index
      %swap3A_53 = tpu.vector_load %arg8[%swap3A_51, %swap3A_52] {strides = array<i32>} : memref<40x128xf32, #tpu.memory_space<vmem>>, vector<1x16xf32>,
      %swap3A_54 = vector.shape_cast %swap3A_53 : vector<1x16xf32> to vector<16xf32>
      %swap3A_55 = vector.shape_cast %broadcast_in_dim3A_3 : vector<16xf32> to vector<1x16xf32>
      tpu.vector_store %arg8[%swap3A_51, %swap3A_52], %swap3A_55 {strides = array<i32>} : memref<40x128xf32, #tpu.memory_space<vmem>>, vector<1x16xf32>,
      %swap3A_56 = arith.index_cast %scan3A_21 : i32 to index
      %swap3A_57 = arith.constant 112 : index
      %swap3A_58 = tpu.vector_load %arg8[%swap3A_56, %swap3A_57] {strides = array<i32>} : memref<40x128xf32, #tpu.memory_space<vmem>>, vector<1x16xf32>,
      %swap3A_59 = vector.shape_cast %swap3A_58 : vector<1x16xf32> to vector<16xf32>
      %swap3A_60 = vector.shape_cast %broadcast_in_dim3A_3 : vector<16xf32> to vector<1x16xf32>
      tpu.vector_store %arg8[%swap3A_56, %swap3A_57], %swap3A_60 {strides = array<i32>} : memref<40x128xf32, #tpu.memory_space<vmem>>, vector<1x16xf32>,
    }
    %scan3A_8 = arith.constant 40 : i32
    %barrier3A = arith.constant 0 : index
    tpu.barrier barrier_id(%barrier3A)
    %add3A_9 = arith.constant 0 : i32
    %add3A_10 = arith.addi %add3A, %add3A_9 : i32
    %mul3A_11 = arith.constant 40 : i32
    %mul3A_12 = arith.muli %add3A_10, %mul3A_11 : i32
    %dma_start3A = tpu.memref_slice %arg2[%mul3A_12] : memref<320000xi32, #tpu.memory_space<hbm>> -> memref<40xi32, #tpu.memory_space<hbm>>
    %dma_start3A_13 = tpu.memref_slice %arg2[%mul3A_12] : memref<320000xi32, #tpu.memory_space<hbm>> -> memref<40xi32, #tpu.memory_space<hbm>>
    tpu.enqueue_dma source(%dma_start3A_13 : memref<40xi32, #tpu.memory_space<hbm>>) target(%arg6 : memref<40xi32, #tpu.memory_space<vmem>>) target_semaphore(%arg9 : memref<!tpu.dma_semaphore, #tpu.memory_space<semaphore_mem>>)
    %scan3A_14 = arith.constant 0 : i32
    %scan3A_15 = arith.constant 0 : i32
    %scan3A_16 = arith.constant 125 : i32
    %scan3A_17 = arith.addi %scan3A_15, %scan3A_16 : i32
    %scan3A_18 = arith.constant 1 : i32
    scf.for %scan3A_21 = %scan3A_15 to %scan3A_17 step %scan3A_18  : i32 {
      %mul3A_22 = arith.constant 2 : i32
      %mul3A_23 = arith.muli %mul3A_22, %scan3A_21 : i32
      %add3A_24 = arith.constant 1 : i32
      %add3A_25 = arith.addi %mul3A_23, %add3A_24 : i32
      %mul3A_26 = arith.constant 32 : i32
      %mul3A_27 = arith.muli %add3A_25, %mul3A_26 : i32
      %add3A_28 = arith.addi %add3A, %mul3A_27 : i32
      %mul3A_29 = arith.constant 40 : i32
      %mul3A_30 = arith.muli %add3A_28, %mul3A_29 : i32
      %dma_start3A_31 = tpu.memref_slice %arg2[%mul3A_30] : memref<320000xi32, #tpu.memory_space<hbm>> -> memref<40xi32, #tpu.memory_space<hbm>>
      %dma_start3A_32 = tpu.memref_slice %arg2[%mul3A_30] : memref<320000xi32, #tpu.memory_space<hbm>> -> memref<40xi32, #tpu.memory_space<hbm>>
      tpu.enqueue_dma source(%dma_start3A_32 : memref<40xi32, #tpu.memory_space<hbm>>) target(%arg7 : memref<40xi32, #tpu.memory_space<vmem>>) target_semaphore(%arg10 : memref<!tpu.dma_semaphore, #tpu.memory_space<semaphore_mem>>)
      %mul3A_33 = arith.constant 2 : i32
      %mul3A_34 = arith.muli %mul3A_33, %scan3A_21 : i32
      %mul3A_35 = arith.constant 32 : i32
      %mul3A_36 = arith.muli %mul3A_34, %mul3A_35 : i32
      %add3A_37 = arith.addi %add3A, %mul3A_36 : i32
      %mul3A_38 = arith.constant 40 : i32
      %mul3A_39 = arith.muli %add3A_37, %mul3A_38 : i32
      %dma_wait3A = tpu.memref_slice %arg2[%mul3A_39] : memref<320000xi32, #tpu.memory_space<hbm>> -> memref<40xi32, #tpu.memory_space<hbm>>
      %dma_wait3A_40 = tpu.memref_slice %arg2[%mul3A_39] : memref<320000xi32, #tpu.memory_space<hbm>> -> memref<40xi32, #tpu.memory_space<hbm>>
      tpu.wait_dma2 semaphore(%arg9 : memref<!tpu.dma_semaphore, #tpu.memory_space<semaphore_mem>>) src(%dma_wait3A_40 : memref<40xi32, #tpu.memory_space<hbm>>) dst(%arg6 : memref<40xi32, #tpu.memory_space<vmem>>)
      "tpu.region"() ({
        %run_scoped3A = tpu.sem_alloc : memref<!tpu.dma_semaphore, #tpu.memory_space<semaphore_mem>>
        %dma_start3A_54 = arith.constant 0 : i32
        %dma_start3A_55 = arith.constant 0 : i32
        %dma_start3A_56 = tpu.memref_slice %arg5[%dma_start3A_54, %dma_start3A_55] : memref<10240x128xf32, #tpu.memory_space<vmem_shared>> -> memref<10240x128xf32, #tpu.memory_space<vmem_shared>>
        tpu.enqueue_indirect_dma source(%arg8 : memref<40x128xf32, #tpu.memory_space<vmem>>) target(%dma_start3A_56 : memref<10240x128xf32, #tpu.memory_space<vmem_shared>>) offsets(%arg6 : memref<40xi32, #tpu.memory_space<vmem>>) semaphore(%run_scoped3A : memref<!tpu.dma_semaphore, #tpu.memory_space<semaphore_mem>>) {add = true}
        %dma_wait3A_57 = arith.constant 0 : i32
        %dma_wait3A_58 = arith.constant 0 : i32
        %dma_wait3A_59 = tpu.memref_slice %arg5[%dma_wait3A_57, %dma_wait3A_58] : memref<10240x128xf32, #tpu.memory_space<vmem_shared>> -> memref<10240x128xf32, #tpu.memory_space<vmem_shared>>
        tpu.wait_indirect_dma semaphore(%run_scoped3A : memref<!tpu.dma_semaphore, #tpu.memory_space<semaphore_mem>>) src(%arg8 : memref<40x128xf32, #tpu.memory_space<vmem>>) dst(%dma_wait3A_59 : memref<10240x128xf32, #tpu.memory_space<vmem_shared>>)
        tpu.yield
      }) : () -> ()
      %lt3A = arith.constant 124 : i32
      %lt3A_41 = arith.cmpi slt, %scan3A_21, %lt3A : i32
      %convert_element_type3A = arith.extui %lt3A_41 : i1 to i32
      %cond3A = arith.constant 0 : i32
      %cond3A_42 = arith.cmpi ne, %convert_element_type3A, %cond3A : i32
      scf.if %cond3A_42 {
        %mul3A_54 = arith.constant 2 : i32
        %mul3A_55 = arith.muli %mul3A_54, %scan3A_21 : i32
        %add3A_56 = arith.constant 2 : i32
        %add3A_57 = arith.addi %mul3A_55, %add3A_56 : i32
        %mul3A_58 = arith.constant 32 : i32
        %mul3A_59 = arith.muli %add3A_57, %mul3A_58 : i32
        %add3A_60 = arith.addi %add3A, %mul3A_59 : i32
        %mul3A_61 = arith.constant 40 : i32
        %mul3A_62 = arith.muli %add3A_60, %mul3A_61 : i32
        %dma_start3A_63 = tpu.memref_slice %arg2[%mul3A_62] : memref<320000xi32, #tpu.memory_space<hbm>> -> memref<40xi32, #tpu.memory_space<hbm>>
        %dma_start3A_64 = tpu.memref_slice %arg2[%mul3A_62] : memref<320000xi32, #tpu.memory_space<hbm>> -> memref<40xi32, #tpu.memory_space<hbm>>
        tpu.enqueue_dma source(%dma_start3A_64 : memref<40xi32, #tpu.memory_space<hbm>>) target(%arg6 : memref<40xi32, #tpu.memory_space<vmem>>) target_semaphore(%arg9 : memref<!tpu.dma_semaphore, #tpu.memory_space<semaphore_mem>>)
      } else {
      }
      %mul3A_43 = arith.constant 2 : i32
      %mul3A_44 = arith.muli %mul3A_43, %scan3A_21 : i32
      %add3A_45 = arith.constant 1 : i32
      %add3A_46 = arith.addi %mul3A_44, %add3A_45 : i32
      %mul3A_47 = arith.constant 32 : i32
      %mul3A_48 = arith.muli %add3A_46, %mul3A_47 : i32
      %add3A_49 = arith.addi %add3A, %mul3A_48 : i32
      %mul3A_50 = arith.constant 40 : i32
      %mul3A_51 = arith.muli %add3A_49, %mul3A_50 : i32
      %dma_wait3A_52 = tpu.memref_slice %arg2[%mul3A_51] : memref<320000xi32, #tpu.memory_space<hbm>> -> memref<40xi32, #tpu.memory_space<hbm>>
      %dma_wait3A_53 = tpu.memref_slice %arg2[%mul3A_51] : memref<320000xi32, #tpu.memory_space<hbm>> -> memref<40xi32, #tpu.memory_space<hbm>>
      tpu.wait_dma2 semaphore(%arg10 : memref<!tpu.dma_semaphore, #tpu.memory_space<semaphore_mem>>) src(%dma_wait3A_53 : memref<40xi32, #tpu.memory_space<hbm>>) dst(%arg7 : memref<40xi32, #tpu.memory_space<vmem>>)
      "tpu.region"() ({
        %run_scoped3A = tpu.sem_alloc : memref<!tpu.dma_semaphore, #tpu.memory_space<semaphore_mem>>
        %dma_start3A_54 = arith.constant 0 : i32
        %dma_start3A_55 = arith.constant 0 : i32
        %dma_start3A_56 = tpu.memref_slice %arg5[%dma_start3A_54, %dma_start3A_55] : memref<10240x128xf32, #tpu.memory_space<vmem_shared>> -> memref<10240x128xf32, #tpu.memory_space<vmem_shared>>
        tpu.enqueue_indirect_dma source(%arg8 : memref<40x128xf32, #tpu.memory_space<vmem>>) target(%dma_start3A_56 : memref<10240x128xf32, #tpu.memory_space<vmem_shared>>) offsets(%arg7 : memref<40xi32, #tpu.memory_space<vmem>>) semaphore(%run_scoped3A : memref<!tpu.dma_semaphore, #tpu.memory_space<semaphore_mem>>) {add = true}
        %dma_wait3A_57 = arith.constant 0 : i32
        %dma_wait3A_58 = arith.constant 0 : i32
        %dma_wait3A_59 = tpu.memref_slice %arg5[%dma_wait3A_57, %dma_wait3A_58] : memref<10240x128xf32, #tpu.memory_space<vmem_shared>> -> memref<10240x128xf32, #tpu.memory_space<vmem_shared>>
        tpu.wait_indirect_dma semaphore(%run_scoped3A : memref<!tpu.dma_semaphore, #tpu.memory_space<semaphore_mem>>) src(%arg8 : memref<40x128xf32, #tpu.memory_space<vmem>>) dst(%dma_wait3A_59 : memref<10240x128xf32, #tpu.memory_space<vmem_shared>>)
        tpu.yield
      }) : () -> ()
    }
    %scan3A_19 = arith.constant 125 : i32
    %barrier3A_20 = arith.constant 0 : index
    tpu.barrier barrier_id(%barrier3A_20)
    "tpu.region"() ({
      %run_scoped3A = tpu.sem_alloc : memref<!tpu.dma_semaphore, #tpu.memory_space<semaphore_mem>>
      %dma_start3A_21 = arith.constant 0 : i32
      %dma_start3A_22 = tpu.memref_slice %arg4[%arg0, %mul3A_2, %dma_start3A_21] : memref<2x10240x128xf32, #tpu.memory_space<hbm>> -> memref<1x640x128xf32, #tpu.memory_space<hbm>>
      %dma_start3A_23 = tpu.memref_squeeze %dma_start3A_22 : memref<1x640x128xf32, #tpu.memory_space<hbm>> -> memref<640x128xf32, #tpu.memory_space<hbm>>
      %dma_start3A_24 = arith.constant 0 : i32
      %dma_start3A_25 = tpu.memref_slice %arg5[%mul3A_2, %dma_start3A_24] : memref<10240x128xf32, #tpu.memory_space<vmem_shared>> -> memref<640x128xf32, #tpu.memory_space<vmem_shared>>
      tpu.enqueue_dma source(%dma_start3A_25 : memref<640x128xf32, #tpu.memory_space<vmem_shared>>) target(%dma_start3A_23 : memref<640x128xf32, #tpu.memory_space<hbm>>) target_semaphore(%run_scoped3A : memref<!tpu.dma_semaphore, #tpu.memory_space<semaphore_mem>>)
      %dma_wait3A = arith.constant 0 : i32
      %dma_wait3A_26 = tpu.memref_slice %arg4[%arg0, %mul3A_2, %dma_wait3A] : memref<2x10240x128xf32, #tpu.memory_space<hbm>> -> memref<1x640x128xf32, #tpu.memory_space<hbm>>
      %dma_wait3A_27 = tpu.memref_squeeze %dma_wait3A_26 : memref<1x640x128xf32, #tpu.memory_space<hbm>> -> memref<640x128xf32, #tpu.memory_space<hbm>>
      %dma_wait3A_28 = arith.constant 0 : i32
      %dma_wait3A_29 = tpu.memref_slice %arg5[%mul3A_2, %dma_wait3A_28] : memref<10240x128xf32, #tpu.memory_space<vmem_shared>> -> memref<640x128xf32, #tpu.memory_space<vmem_shared>>
      tpu.wait_dma2 semaphore(%run_scoped3A : memref<!tpu.dma_semaphore, #tpu.memory_space<semaphore_mem>>) src(%dma_wait3A_29 : memref<640x128xf32, #tpu.memory_space<vmem_shared>>) dst(%dma_wait3A_27 : memref<640x128xf32, #tpu.memory_space<hbm>>)
      tpu.yield
    }) : () -> ()
    return
  }
}

#map = affine_map<(d0, d1) -> (0)>
#map1 = affine_map<(d0, d1) -> (0, 0)>
#map2 = affine_map<(d0, d1) -> (0, 0, 0)>
module attributes {stable_mosaic.version = 14 : i64} {
  func.func @_cnt_body(%arg0: i32, %arg1: i32, %arg2: memref<320000xi32, #tpu.memory_space<hbm>>, %arg3: memref<10240x128xf32, #tpu.memory_space<hbm>>, %arg4: memref<2x10240x128xf32, #tpu.memory_space<hbm>>, %arg5: memref<10240x128xf32, #tpu.memory_space<vmem_shared>>, %arg6: memref<40xi32, #tpu.memory_space<vmem>>, %arg7: memref<40xi32, #tpu.memory_space<vmem>>, %arg8: memref<40x128xf32, #tpu.memory_space<vmem>>, %arg9: memref<!tpu.dma_semaphore, #tpu.memory_space<semaphore_mem>>, %arg10: memref<!tpu.dma_semaphore, #tpu.memory_space<semaphore_mem>>) attributes {dimension_semantics = [#tpu.dimension_semantics<core_parallel>, #tpu.dimension_semantics<subcore_parallel>], iteration_bounds = array<i64: 2, 16>, scalar_prefetch = 0 : i64, scratch_operands = 6 : i64, tpu.core_type = #tpu.core_type<sc_vector_subcore>, window_params = [{transform_indices = #map}, {transform_indices = #map1}, {transform_indices = #map2}]} {
    %mul3A = arith.constant 2 : i32
    %mul3A_0 = arith.muli %arg1, %mul3A : i32
    %add3A = arith.addi %mul3A_0, %arg0 : i32
    %mul3A_1 = arith.constant 640 : i32
    %mul3A_2 = arith.muli %arg1, %mul3A_1 : i32
    "tpu.region"() ({
      %run_scoped3A = tpu.sem_alloc : memref<!tpu.dma_semaphore, #tpu.memory_space<semaphore_mem>>
      %dma_start3A_21 = arith.constant 0 : i32
      %dma_start3A_22 = tpu.memref_slice %arg5[%mul3A_2, %dma_start3A_21] : memref<10240x128xf32, #tpu.memory_space<vmem_shared>> -> memref<640x128xf32, #tpu.memory_space<vmem_shared>>
      %dma_start3A_23 = arith.constant 0 : i32
      %dma_start3A_24 = tpu.memref_slice %arg3[%mul3A_2, %dma_start3A_23] : memref<10240x128xf32, #tpu.memory_space<hbm>> -> memref<640x128xf32, #tpu.memory_space<hbm>>
      tpu.enqueue_dma source(%dma_start3A_24 : memref<640x128xf32, #tpu.memory_space<hbm>>) target(%dma_start3A_22 : memref<640x128xf32, #tpu.memory_space<vmem_shared>>) target_semaphore(%run_scoped3A : memref<!tpu.dma_semaphore, #tpu.memory_space<semaphore_mem>>)
      %dma_wait3A = arith.constant 0 : i32
      %dma_wait3A_25 = tpu.memref_slice %arg5[%mul3A_2, %dma_wait3A] : memref<10240x128xf32, #tpu.memory_space<vmem_shared>> -> memref<640x128xf32, #tpu.memory_space<vmem_shared>>
      %dma_wait3A_26 = arith.constant 0 : i32
      %dma_wait3A_27 = tpu.memref_slice %arg3[%mul3A_2, %dma_wait3A_26] : memref<10240x128xf32, #tpu.memory_space<hbm>> -> memref<640x128xf32, #tpu.memory_space<hbm>>
      tpu.wait_dma2 semaphore(%run_scoped3A : memref<!tpu.dma_semaphore, #tpu.memory_space<semaphore_mem>>) src(%dma_wait3A_27 : memref<640x128xf32, #tpu.memory_space<hbm>>) dst(%dma_wait3A_25 : memref<640x128xf32, #tpu.memory_space<vmem_shared>>)
      tpu.yield
    }) : () -> ()
    %broadcast_in_dim3A = arith.constant 1.000000e+00 : f32
    %broadcast_in_dim3A_3 = vector.broadcast %broadcast_in_dim3A : f32 to vector<16xf32>
    %scan3A = arith.constant 0 : i32
    %scan3A_4 = arith.constant 0 : i32
    %scan3A_5 = arith.constant 40 : i32
    %scan3A_6 = arith.addi %scan3A_4, %scan3A_5 : i32
    %scan3A_7 = arith.constant 1 : i32
    scf.for %scan3A_21 = %scan3A_4 to %scan3A_6 step %scan3A_7  : i32 {
      %swap3A = arith.index_cast %scan3A_21 : i32 to index
      %swap3A_22 = arith.constant 0 : index
      %swap3A_23 = tpu.vector_load %arg8[%swap3A, %swap3A_22] {strides = array<i32>} : memref<40x128xf32, #tpu.memory_space<vmem>>, vector<1x16xf32>,
      %swap3A_24 = vector.shape_cast %swap3A_23 : vector<1x16xf32> to vector<16xf32>
      %swap3A_25 = vector.shape_cast %broadcast_in_dim3A_3 : vector<16xf32> to vector<1x16xf32>
      tpu.vector_store %arg8[%swap3A, %swap3A_22], %swap3A_25 {strides = array<i32>} : memref<40x128xf32, #tpu.memory_space<vmem>>, vector<1x16xf32>,
      %swap3A_26 = arith.index_cast %scan3A_21 : i32 to index
      %swap3A_27 = arith.constant 16 : index
      %swap3A_28 = tpu.vector_load %arg8[%swap3A_26, %swap3A_27] {strides = array<i32>} : memref<40x128xf32, #tpu.memory_space<vmem>>, vector<1x16xf32>,
      %swap3A_29 = vector.shape_cast %swap3A_28 : vector<1x16xf32> to vector<16xf32>
      %swap3A_30 = vector.shape_cast %broadcast_in_dim3A_3 : vector<16xf32> to vector<1x16xf32>
      tpu.vector_store %arg8[%swap3A_26, %swap3A_27], %swap3A_30 {strides = array<i32>} : memref<40x128xf32, #tpu.memory_space<vmem>>, vector<1x16xf32>,
      %swap3A_31 = arith.index_cast %scan3A_21 : i32 to index
      %swap3A_32 = arith.constant 32 : index
      %swap3A_33 = tpu.vector_load %arg8[%swap3A_31, %swap3A_32] {strides = array<i32>} : memref<40x128xf32, #tpu.memory_space<vmem>>, vector<1x16xf32>,
      %swap3A_34 = vector.shape_cast %swap3A_33 : vector<1x16xf32> to vector<16xf32>
      %swap3A_35 = vector.shape_cast %broadcast_in_dim3A_3 : vector<16xf32> to vector<1x16xf32>
      tpu.vector_store %arg8[%swap3A_31, %swap3A_32], %swap3A_35 {strides = array<i32>} : memref<40x128xf32, #tpu.memory_space<vmem>>, vector<1x16xf32>,
      %swap3A_36 = arith.index_cast %scan3A_21 : i32 to index
      %swap3A_37 = arith.constant 48 : index
      %swap3A_38 = tpu.vector_load %arg8[%swap3A_36, %swap3A_37] {strides = array<i32>} : memref<40x128xf32, #tpu.memory_space<vmem>>, vector<1x16xf32>,
      %swap3A_39 = vector.shape_cast %swap3A_38 : vector<1x16xf32> to vector<16xf32>
      %swap3A_40 = vector.shape_cast %broadcast_in_dim3A_3 : vector<16xf32> to vector<1x16xf32>
      tpu.vector_store %arg8[%swap3A_36, %swap3A_37], %swap3A_40 {strides = array<i32>} : memref<40x128xf32, #tpu.memory_space<vmem>>, vector<1x16xf32>,
      %swap3A_41 = arith.index_cast %scan3A_21 : i32 to index
      %swap3A_42 = arith.constant 64 : index
      %swap3A_43 = tpu.vector_load %arg8[%swap3A_41, %swap3A_42] {strides = array<i32>} : memref<40x128xf32, #tpu.memory_space<vmem>>, vector<1x16xf32>,
      %swap3A_44 = vector.shape_cast %swap3A_43 : vector<1x16xf32> to vector<16xf32>
      %swap3A_45 = vector.shape_cast %broadcast_in_dim3A_3 : vector<16xf32> to vector<1x16xf32>
      tpu.vector_store %arg8[%swap3A_41, %swap3A_42], %swap3A_45 {strides = array<i32>} : memref<40x128xf32, #tpu.memory_space<vmem>>, vector<1x16xf32>,
      %swap3A_46 = arith.index_cast %scan3A_21 : i32 to index
      %swap3A_47 = arith.constant 80 : index
      %swap3A_48 = tpu.vector_load %arg8[%swap3A_46, %swap3A_47] {strides = array<i32>} : memref<40x128xf32, #tpu.memory_space<vmem>>, vector<1x16xf32>,
      %swap3A_49 = vector.shape_cast %swap3A_48 : vector<1x16xf32> to vector<16xf32>
      %swap3A_50 = vector.shape_cast %broadcast_in_dim3A_3 : vector<16xf32> to vector<1x16xf32>
      tpu.vector_store %arg8[%swap3A_46, %swap3A_47], %swap3A_50 {strides = array<i32>} : memref<40x128xf32, #tpu.memory_space<vmem>>, vector<1x16xf32>,
      %swap3A_51 = arith.index_cast %scan3A_21 : i32 to index
      %swap3A_52 = arith.constant 96 : index
      %swap3A_53 = tpu.vector_load %arg8[%swap3A_51, %swap3A_52] {strides = array<i32>} : memref<40x128xf32, #tpu.memory_space<vmem>>, vector<1x16xf32>,
      %swap3A_54 = vector.shape_cast %swap3A_53 : vector<1x16xf32> to vector<16xf32>
      %swap3A_55 = vector.shape_cast %broadcast_in_dim3A_3 : vector<16xf32> to vector<1x16xf32>
      tpu.vector_store %arg8[%swap3A_51, %swap3A_52], %swap3A_55 {strides = array<i32>} : memref<40x128xf32, #tpu.memory_space<vmem>>, vector<1x16xf32>,
      %swap3A_56 = arith.index_cast %scan3A_21 : i32 to index
      %swap3A_57 = arith.constant 112 : index
      %swap3A_58 = tpu.vector_load %arg8[%swap3A_56, %swap3A_57] {strides = array<i32>} : memref<40x128xf32, #tpu.memory_space<vmem>>, vector<1x16xf32>,
      %swap3A_59 = vector.shape_cast %swap3A_58 : vector<1x16xf32> to vector<16xf32>
      %swap3A_60 = vector.shape_cast %broadcast_in_dim3A_3 : vector<16xf32> to vector<1x16xf32>
      tpu.vector_store %arg8[%swap3A_56, %swap3A_57], %swap3A_60 {strides = array<i32>} : memref<40x128xf32, #tpu.memory_space<vmem>>, vector<1x16xf32>,
    }
    %scan3A_8 = arith.constant 40 : i32
    %barrier3A = arith.constant 0 : index
    tpu.barrier barrier_id(%barrier3A)
    %add3A_9 = arith.constant 0 : i32
    %add3A_10 = arith.addi %add3A, %add3A_9 : i32
    %mul3A_11 = arith.constant 40 : i32
    %mul3A_12 = arith.muli %add3A_10, %mul3A_11 : i32
    %dma_start3A = tpu.memref_slice %arg2[%mul3A_12] : memref<320000xi32, #tpu.memory_space<hbm>> -> memref<40xi32, #tpu.memory_space<hbm>>
    %dma_start3A_13 = tpu.memref_slice %arg2[%mul3A_12] : memref<320000xi32, #tpu.memory_space<hbm>> -> memref<40xi32, #tpu.memory_space<hbm>>
    tpu.enqueue_dma source(%dma_start3A_13 : memref<40xi32, #tpu.memory_space<hbm>>) target(%arg6 : memref<40xi32, #tpu.memory_space<vmem>>) target_semaphore(%arg9 : memref<!tpu.dma_semaphore, #tpu.memory_space<semaphore_mem>>)
    %scan3A_14 = arith.constant 0 : i32
    %scan3A_15 = arith.constant 0 : i32
    %scan3A_16 = arith.constant 125 : i32
    %scan3A_17 = arith.addi %scan3A_15, %scan3A_16 : i32
    %scan3A_18 = arith.constant 1 : i32
    scf.for %scan3A_21 = %scan3A_15 to %scan3A_17 step %scan3A_18  : i32 {
      %mul3A_22 = arith.constant 2 : i32
      %mul3A_23 = arith.muli %mul3A_22, %scan3A_21 : i32
      %add3A_24 = arith.constant 1 : i32
      %add3A_25 = arith.addi %mul3A_23, %add3A_24 : i32
      %mul3A_26 = arith.constant 32 : i32
      %mul3A_27 = arith.muli %add3A_25, %mul3A_26 : i32
      %add3A_28 = arith.addi %add3A, %mul3A_27 : i32
      %mul3A_29 = arith.constant 40 : i32
      %mul3A_30 = arith.muli %add3A_28, %mul3A_29 : i32
      %dma_start3A_31 = tpu.memref_slice %arg2[%mul3A_30] : memref<320000xi32, #tpu.memory_space<hbm>> -> memref<40xi32, #tpu.memory_space<hbm>>
      %dma_start3A_32 = tpu.memref_slice %arg2[%mul3A_30] : memref<320000xi32, #tpu.memory_space<hbm>> -> memref<40xi32, #tpu.memory_space<hbm>>
      tpu.enqueue_dma source(%dma_start3A_32 : memref<40xi32, #tpu.memory_space<hbm>>) target(%arg7 : memref<40xi32, #tpu.memory_space<vmem>>) target_semaphore(%arg10 : memref<!tpu.dma_semaphore, #tpu.memory_space<semaphore_mem>>)
      %mul3A_33 = arith.constant 2 : i32
      %mul3A_34 = arith.muli %mul3A_33, %scan3A_21 : i32
      %mul3A_35 = arith.constant 32 : i32
      %mul3A_36 = arith.muli %mul3A_34, %mul3A_35 : i32
      %add3A_37 = arith.addi %add3A, %mul3A_36 : i32
      %mul3A_38 = arith.constant 40 : i32
      %mul3A_39 = arith.muli %add3A_37, %mul3A_38 : i32
      %dma_wait3A = tpu.memref_slice %arg2[%mul3A_39] : memref<320000xi32, #tpu.memory_space<hbm>> -> memref<40xi32, #tpu.memory_space<hbm>>
      %dma_wait3A_40 = tpu.memref_slice %arg2[%mul3A_39] : memref<320000xi32, #tpu.memory_space<hbm>> -> memref<40xi32, #tpu.memory_space<hbm>>
      tpu.wait_dma2 semaphore(%arg9 : memref<!tpu.dma_semaphore, #tpu.memory_space<semaphore_mem>>) src(%dma_wait3A_40 : memref<40xi32, #tpu.memory_space<hbm>>) dst(%arg6 : memref<40xi32, #tpu.memory_space<vmem>>)
      "tpu.region"() ({
        %run_scoped3A = tpu.sem_alloc : memref<!tpu.dma_semaphore, #tpu.memory_space<semaphore_mem>>
        %dma_start3A_54 = arith.constant 0 : i32
        %dma_start3A_55 = arith.constant 0 : i32
        %dma_start3A_56 = tpu.memref_slice %arg5[%dma_start3A_54, %dma_start3A_55] : memref<10240x128xf32, #tpu.memory_space<vmem_shared>> -> memref<10240x128xf32, #tpu.memory_space<vmem_shared>>
        tpu.enqueue_indirect_dma source(%arg8 : memref<40x128xf32, #tpu.memory_space<vmem>>) target(%dma_start3A_56 : memref<10240x128xf32, #tpu.memory_space<vmem_shared>>) offsets(%arg6 : memref<40xi32, #tpu.memory_space<vmem>>) semaphore(%run_scoped3A : memref<!tpu.dma_semaphore, #tpu.memory_space<semaphore_mem>>) {add = true}
        %dma_wait3A_57 = arith.constant 0 : i32
        %dma_wait3A_58 = arith.constant 0 : i32
        %dma_wait3A_59 = tpu.memref_slice %arg5[%dma_wait3A_57, %dma_wait3A_58] : memref<10240x128xf32, #tpu.memory_space<vmem_shared>> -> memref<10240x128xf32, #tpu.memory_space<vmem_shared>>
        tpu.wait_indirect_dma semaphore(%run_scoped3A : memref<!tpu.dma_semaphore, #tpu.memory_space<semaphore_mem>>) src(%arg8 : memref<40x128xf32, #tpu.memory_space<vmem>>) dst(%dma_wait3A_59 : memref<10240x128xf32, #tpu.memory_space<vmem_shared>>)
        tpu.yield
      }) : () -> ()
      %lt3A = arith.constant 124 : i32
      %lt3A_41 = arith.cmpi slt, %scan3A_21, %lt3A : i32
      %convert_element_type3A = arith.extui %lt3A_41 : i1 to i32
      %cond3A = arith.constant 0 : i32
      %cond3A_42 = arith.cmpi ne, %convert_element_type3A, %cond3A : i32
      scf.if %cond3A_42 {
        %mul3A_54 = arith.constant 2 : i32
        %mul3A_55 = arith.muli %mul3A_54, %scan3A_21 : i32
        %add3A_56 = arith.constant 2 : i32
        %add3A_57 = arith.addi %mul3A_55, %add3A_56 : i32
        %mul3A_58 = arith.constant 32 : i32
        %mul3A_59 = arith.muli %add3A_57, %mul3A_58 : i32
        %add3A_60 = arith.addi %add3A, %mul3A_59 : i32
        %mul3A_61 = arith.constant 40 : i32
        %mul3A_62 = arith.muli %add3A_60, %mul3A_61 : i32
        %dma_start3A_63 = tpu.memref_slice %arg2[%mul3A_62] : memref<320000xi32, #tpu.memory_space<hbm>> -> memref<40xi32, #tpu.memory_space<hbm>>
        %dma_start3A_64 = tpu.memref_slice %arg2[%mul3A_62] : memref<320000xi32, #tpu.memory_space<hbm>> -> memref<40xi32, #tpu.memory_space<hbm>>
        tpu.enqueue_dma source(%dma_start3A_64 : memref<40xi32, #tpu.memory_space<hbm>>) target(%arg6 : memref<40xi32, #tpu.memory_space<vmem>>) target_semaphore(%arg9 : memref<!tpu.dma_semaphore, #tpu.memory_space<semaphore_mem>>)
      } else {
      }
      %mul3A_43 = arith.constant 2 : i32
      %mul3A_44 = arith.muli %mul3A_43, %scan3A_21 : i32
      %add3A_45 = arith.constant 1 : i32
      %add3A_46 = arith.addi %mul3A_44, %add3A_45 : i32
      %mul3A_47 = arith.constant 32 : i32
      %mul3A_48 = arith.muli %add3A_46, %mul3A_47 : i32
      %add3A_49 = arith.addi %add3A, %mul3A_48 : i32
      %mul3A_50 = arith.constant 40 : i32
      %mul3A_51 = arith.muli %add3A_49, %mul3A_50 : i32
      %dma_wait3A_52 = tpu.memref_slice %arg2[%mul3A_51] : memref<320000xi32, #tpu.memory_space<hbm>> -> memref<40xi32, #tpu.memory_space<hbm>>
      %dma_wait3A_53 = tpu.memref_slice %arg2[%mul3A_51] : memref<320000xi32, #tpu.memory_space<hbm>> -> memref<40xi32, #tpu.memory_space<hbm>>
      tpu.wait_dma2 semaphore(%arg10 : memref<!tpu.dma_semaphore, #tpu.memory_space<semaphore_mem>>) src(%dma_wait3A_53 : memref<40xi32, #tpu.memory_space<hbm>>) dst(%arg7 : memref<40xi32, #tpu.memory_space<vmem>>)
      "tpu.region"() ({
        %run_scoped3A = tpu.sem_alloc : memref<!tpu.dma_semaphore, #tpu.memory_space<semaphore_mem>>
        %dma_start3A_54 = arith.constant 0 : i32
        %dma_start3A_55 = arith.constant 0 : i32
        %dma_start3A_56 = tpu.memref_slice %arg5[%dma_start3A_54, %dma_start3A_55] : memref<10240x128xf32, #tpu.memory_space<vmem_shared>> -> memref<10240x128xf32, #tpu.memory_space<vmem_shared>>
        tpu.enqueue_indirect_dma source(%arg8 : memref<40x128xf32, #tpu.memory_space<vmem>>) target(%dma_start3A_56 : memref<10240x128xf32, #tpu.memory_space<vmem_shared>>) offsets(%arg7 : memref<40xi32, #tpu.memory_space<vmem>>) semaphore(%run_scoped3A : memref<!tpu.dma_semaphore, #tpu.memory_space<semaphore_mem>>) {add = true}
        %dma_wait3A_57 = arith.constant 0 : i32
        %dma_wait3A_58 = arith.constant 0 : i32
        %dma_wait3A_59 = tpu.memref_slice %arg5[%dma_wait3A_57, %dma_wait3A_58] : memref<10240x128xf32, #tpu.memory_space<vmem_shared>> -> memref<10240x128xf32, #tpu.memory_space<vmem_shared>>
        tpu.wait_indirect_dma semaphore(%run_scoped3A : memref<!tpu.dma_semaphore, #tpu.memory_space<semaphore_mem>>) src(%arg8 : memref<40x128xf32, #tpu.memory_space<vmem>>) dst(%dma_wait3A_59 : memref<10240x128xf32, #tpu.memory_space<vmem_shared>>)
        tpu.yield
      }) : () -> ()
    }
    %scan3A_19 = arith.constant 125 : i32
    %barrier3A_20 = arith.constant 0 : index
    tpu.barrier barrier_id(%barrier3A_20)
    "tpu.region"() ({
      %run_scoped3A = tpu.sem_alloc : memref<!tpu.dma_semaphore, #tpu.memory_space<semaphore_mem>>
      %dma_start3A_21 = arith.constant 0 : i32
      %dma_start3A_22 = tpu.memref_slice %arg4[%arg0, %mul3A_2, %dma_start3A_21] : memref<2x10240x128xf32, #tpu.memory_space<hbm>> -> memref<1x640x128xf32, #tpu.memory_space<hbm>>
      %dma_start3A_23 = tpu.memref_squeeze %dma_start3A_22 : memref<1x640x128xf32, #tpu.memory_space<hbm>> -> memref<640x128xf32, #tpu.memory_space<hbm>>
      %dma_start3A_24 = arith.constant 0 : i32
      %dma_start3A_25 = tpu.memref_slice %arg5[%mul3A_2, %dma_start3A_24] : memref<10240x128xf32, #tpu.memory_space<vmem_shared>> -> memref<640x128xf32, #tpu.memory_space<vmem_shared>>
      tpu.enqueue_dma source(%dma_start3A_25 : memref<640x128xf32, #tpu.memory_space<vmem_shared>>) target(%dma_start3A_23 : memref<640x128xf32, #tpu.memory_space<hbm>>) target_semaphore(%run_scoped3A : memref<!tpu.dma_semaphore, #tpu.memory_space<semaphore_mem>>)
      %dma_wait3A = arith.constant 0 : i32
      %dma_wait3A_26 = tpu.memref_slice %arg4[%arg0, %mul3A_2, %dma_wait3A] : memref<2x10240x128xf32, #tpu.memory_space<hbm>> -> memref<1x640x128xf32, #tpu.memory_space<hbm>>
      %dma_wait3A_27 = tpu.memref_squeeze %dma_wait3A_26 : memref<1x640x128xf32, #tpu.memory_space<hbm>> -> memref<640x128xf32, #tpu.memory_space<hbm>>
      %dma_wait3A_28 = arith.constant 0 : i32
      %dma_wait3A_29 = tpu.memref_slice %arg5[%mul3A_2, %dma_wait3A_28] : memref<10240x128xf32, #tpu.memory_space<vmem_shared>> -> memref<640x128xf32, #tpu.memory_space<vmem_shared>>
      tpu.wait_dma2 semaphore(%run_scoped3A : memref<!tpu.dma_semaphore, #tpu.memory_space<semaphore_mem>>) src(%dma_wait3A_29 : memref<640x128xf32, #tpu.memory_space<vmem_shared>>) dst(%dma_wait3A_27 : memref<640x128xf32, #tpu.memory_space<hbm>>)
      tpu.yield
    }) : () -> ()
    return
  }
}

module attributes {stable_mosaic.version = 14 : i64} {
  func.func @_mlp_body(%arg0: i32, %arg1: memref<1000x128xf32, #tpu.memory_space<vmem>>, %arg2: memref<2x1000x128xf32, #tpu.memory_space<vmem>>, %arg3: memref<2x1000x128xf32, #tpu.memory_space<vmem>>, %arg4: memref<128x128xf32, #tpu.memory_space<vmem>>, %arg5: memref<128x128xf32, #tpu.memory_space<vmem>>, %arg6: memref<1x128xf32, #tpu.memory_space<vmem>>, %arg7: memref<1000x128xf32, #tpu.memory_space<vmem>>) attributes {dimension_semantics = [#tpu.dimension_semantics<arbitrary>], iteration_bounds = array<i64: 10>, scalar_prefetch = 0 : i64, scratch_operands = 0 : i64, tpu.core_type = #tpu.core_type<tc>, window_params = [{transform_indices = @transform_0, window_bounds = array<i64: 1000, 128>}, {transform_indices = @transform_1, window_bounds = array<i64: 2, 1000, 128>}, {transform_indices = @transform_2, window_bounds = array<i64: 2, 1000, 128>}, {pipeline_mode = #tpu.pipeline_mode<synchronous>, transform_indices = @transform_3, window_bounds = array<i64: 128, 128>}, {pipeline_mode = #tpu.pipeline_mode<synchronous>, transform_indices = @transform_4, window_bounds = array<i64: 128, 128>}, {pipeline_mode = #tpu.pipeline_mode<synchronous>, transform_indices = @transform_5, window_bounds = array<i64: 1, 128>}, {transform_indices = @transform_6, window_bounds = array<i64: 1000, 128>}]} {
    %get3A = arith.constant 0 : index
    %get3A_0 = arith.constant 0 : index
    %get3A_1 = arith.constant 0 : index
    %get3A_2 = vector.load %arg3[%get3A, %get3A_0, %get3A_1] : memref<2x1000x128xf32, #tpu.memory_space<vmem>>, vector<1x1000x128xf32>
    %get3A_3 = vector.shape_cast %get3A_2 : vector<1x1000x128xf32> to vector<1000x128xf32>
    %slice3A = vector.extract_strided_slice %get3A_3 {offsets = [0, 0], sizes = [1000, 1], strides = [1, 1]} : vector<1000x128xf32> to vector<1000x1xf32>
    %get3A_4 = arith.constant 1 : index
    %get3A_5 = arith.constant 0 : index
    %get3A_6 = arith.constant 0 : index
    %get3A_7 = vector.load %arg3[%get3A_4, %get3A_5, %get3A_6] : memref<2x1000x128xf32, #tpu.memory_space<vmem>>, vector<1x1000x128xf32>
    %get3A_8 = vector.shape_cast %get3A_7 : vector<1x1000x128xf32> to vector<1000x128xf32>
    %slice3A_9 = vector.extract_strided_slice %get3A_8 {offsets = [0, 0], sizes = [1000, 1], strides = [1, 1]} : vector<1000x128xf32> to vector<1000x1xf32>
    %add3A = arith.addf %slice3A, %slice3A_9 : vector<1000x1xf32>
    %get3A_10 = arith.constant 0 : index
    %get3A_11 = arith.constant 0 : index
    %get3A_12 = arith.constant 0 : index
    %get3A_13 = vector.load %arg2[%get3A_10, %get3A_11, %get3A_12] : memref<2x1000x128xf32, #tpu.memory_space<vmem>>, vector<1x1000x128xf32>
    %get3A_14 = vector.shape_cast %get3A_13 : vector<1x1000x128xf32> to vector<1000x128xf32>
    %get3A_15 = arith.constant 1 : index
    %get3A_16 = arith.constant 0 : index
    %get3A_17 = arith.constant 0 : index
    %get3A_18 = vector.load %arg2[%get3A_15, %get3A_16, %get3A_17] : memref<2x1000x128xf32, #tpu.memory_space<vmem>>, vector<1x1000x128xf32>
    %get3A_19 = vector.shape_cast %get3A_18 : vector<1x1000x128xf32> to vector<1000x128xf32>
    %add3A_20 = arith.addf %get3A_14, %get3A_19 : vector<1000x128xf32>
    %max3A = arith.constant 1.000000e+00 : f32
    %max3A_21 = vector.broadcast %max3A : f32 to vector<1000x1xf32>
    %max3A_22 = arith.maximumf %add3A, %max3A_21 : vector<1000x1xf32>
    %div3A = vector.broadcast %max3A_22 : vector<1000x1xf32> to vector<1000x128xf32>
    %div3A_23 = arith.divf %add3A_20, %div3A : vector<1000x128xf32>
    %get3A_24 = arith.constant 0 : index
    %get3A_25 = arith.constant 0 : index
    %get3A_26 = vector.load %arg1[%get3A_24, %get3A_25] : memref<1000x128xf32, #tpu.memory_space<vmem>>, vector<1000x128xf32>
    %get3A_27 = arith.constant 0 : index
    %get3A_28 = arith.constant 0 : index
    %get3A_29 = vector.load %arg4[%get3A_27, %get3A_28] : memref<128x128xf32, #tpu.memory_space<vmem>>, vector<128x128xf32>
    %dot_general3A = arith.constant dense<0.000000e+00> : vector<1000x128xf32>
    %dot_general3A_30 = tpu.matmul %get3A_26, %get3A_29, %dot_general3A {dimension_numbers = #tpu.dot_dimension_numbers<[1], [1], [0], [0], [0, 0, 1, 0], [], []>, transpose_lhs_hint = false} : vector<1000x128xf32>, vector<128x128xf32>, vector<1000x128xf32> -> vector<1000x128xf32>
    %get3A_31 = arith.constant 0 : index
    %get3A_32 = arith.constant 0 : index
    %get3A_33 = vector.load %arg5[%get3A_31, %get3A_32] : memref<128x128xf32, #tpu.memory_space<vmem>>, vector<128x128xf32>
    %dot_general3A_34 = arith.constant dense<0.000000e+00> : vector<1000x128xf32>
    %dot_general3A_35 = tpu.matmul %div3A_23, %get3A_33, %dot_general3A_34 {dimension_numbers = #tpu.dot_dimension_numbers<[1], [1], [0], [0], [0, 0, 1, 0], [], []>, transpose_lhs_hint = false} : vector<1000x128xf32>, vector<128x128xf32>, vector<1000x128xf32> -> vector<1000x128xf32>
    %add3A_36 = arith.addf %dot_general3A_30, %dot_general3A_35 : vector<1000x128xf32>
    %get3A_37 = arith.constant 0 : index
    %get3A_38 = arith.constant 0 : index
    %get3A_39 = vector.load %arg6[%get3A_37, %get3A_38] : memref<1x128xf32, #tpu.memory_space<vmem>>, vector<1x128xf32>
    %add3A_40 = vector.broadcast %get3A_39 : vector<1x128xf32> to vector<1000x128xf32>
    %add3A_41 = arith.addf %add3A_36, %add3A_40 : vector<1000x128xf32>
    %max3A_42 = arith.constant 0.000000e+00 : f32
    %max3A_43 = vector.broadcast %max3A_42 : f32 to vector<1000x128xf32>
    %max3A_44 = arith.maximumf %add3A_41, %max3A_43 : vector<1000x128xf32>
    %swap3A = arith.constant 0 : index
    %swap3A_45 = arith.constant 0 : index
    %swap3A_46 = vector.load %arg7[%swap3A, %swap3A_45] : memref<1000x128xf32, #tpu.memory_space<vmem>>, vector<1000x128xf32>
    tpu.vector_store %arg7[%swap3A, %swap3A_45], %max3A_44 {strides = array<i32>} : memref<1000x128xf32, #tpu.memory_space<vmem>>, vector<1000x128xf32>,
    return
  }
  func.func @transform_0(%arg0: i32) -> (i32, i32) {
    %c0_i32 = arith.constant 0 : i32
    %c0_i32_0 = arith.constant 0 : i32
    return %arg0, %c0_i32 : i32, i32
  }
  func.func @transform_1(%arg0: i32) -> (i32, i32, i32) {
    %c0_i32 = arith.constant 0 : i32
    %c0_i32_0 = arith.constant 0 : i32
    %c0_i32_1 = arith.constant 0 : i32
    return %c0_i32, %arg0, %c0_i32_0 : i32, i32, i32
  }
  func.func @transform_2(%arg0: i32) -> (i32, i32, i32) {
    %c0_i32 = arith.constant 0 : i32
    %c0_i32_0 = arith.constant 0 : i32
    %c0_i32_1 = arith.constant 0 : i32
    return %c0_i32, %arg0, %c0_i32_0 : i32, i32, i32
  }
  func.func @transform_3(%arg0: i32) -> (i32, i32) {
    %c0_i32 = arith.constant 0 : i32
    %c0_i32_0 = arith.constant 0 : i32
    %c0_i32_1 = arith.constant 0 : i32
    return %c0_i32, %c0_i32_0 : i32, i32
  }
  func.func @transform_4(%arg0: i32) -> (i32, i32) {
    %c0_i32 = arith.constant 0 : i32
    %c0_i32_0 = arith.constant 0 : i32
    %c0_i32_1 = arith.constant 0 : i32
    return %c0_i32, %c0_i32_0 : i32, i32
  }
  func.func @transform_5(%arg0: i32) -> (i32, i32) {
    %c0_i32 = arith.constant 0 : i32
    %c0_i32_0 = arith.constant 0 : i32
    %c0_i32_1 = arith.constant 0 : i32
    return %c0_i32, %c0_i32_0 : i32, i32
  }
  func.func @transform_6(%arg0: i32) -> (i32, i32) {
    %c0_i32 = arith.constant 0 : i32
    %c0_i32_0 = arith.constant 0 : i32
    return %arg0, %c0_i32 : i32, i32
  }
}

module attributes {stable_mosaic.version = 14 : i64} {
  func.func @_mlp_body(%arg0: i32, %arg1: memref<1000x128xf32, #tpu.memory_space<vmem>>, %arg2: memref<2x1000x128xf32, #tpu.memory_space<vmem>>, %arg3: memref<2x1000x128xf32, #tpu.memory_space<vmem>>, %arg4: memref<128x128xf32, #tpu.memory_space<vmem>>, %arg5: memref<128x128xf32, #tpu.memory_space<vmem>>, %arg6: memref<1x128xf32, #tpu.memory_space<vmem>>, %arg7: memref<1000x128xf32, #tpu.memory_space<vmem>>) attributes {dimension_semantics = [#tpu.dimension_semantics<arbitrary>], iteration_bounds = array<i64: 10>, scalar_prefetch = 0 : i64, scratch_operands = 0 : i64, tpu.core_type = #tpu.core_type<tc>, window_params = [{transform_indices = @transform_0, window_bounds = array<i64: 1000, 128>}, {transform_indices = @transform_1, window_bounds = array<i64: 2, 1000, 128>}, {transform_indices = @transform_2, window_bounds = array<i64: 2, 1000, 128>}, {pipeline_mode = #tpu.pipeline_mode<synchronous>, transform_indices = @transform_3, window_bounds = array<i64: 128, 128>}, {pipeline_mode = #tpu.pipeline_mode<synchronous>, transform_indices = @transform_4, window_bounds = array<i64: 128, 128>}, {pipeline_mode = #tpu.pipeline_mode<synchronous>, transform_indices = @transform_5, window_bounds = array<i64: 1, 128>}, {transform_indices = @transform_6, window_bounds = array<i64: 1000, 128>}]} {
    %get3A = arith.constant 0 : index
    %get3A_0 = arith.constant 0 : index
    %get3A_1 = arith.constant 0 : index
    %get3A_2 = vector.load %arg3[%get3A, %get3A_0, %get3A_1] : memref<2x1000x128xf32, #tpu.memory_space<vmem>>, vector<1x1000x128xf32>
    %get3A_3 = vector.shape_cast %get3A_2 : vector<1x1000x128xf32> to vector<1000x128xf32>
    %slice3A = vector.extract_strided_slice %get3A_3 {offsets = [0, 0], sizes = [1000, 1], strides = [1, 1]} : vector<1000x128xf32> to vector<1000x1xf32>
    %get3A_4 = arith.constant 1 : index
    %get3A_5 = arith.constant 0 : index
    %get3A_6 = arith.constant 0 : index
    %get3A_7 = vector.load %arg3[%get3A_4, %get3A_5, %get3A_6] : memref<2x1000x128xf32, #tpu.memory_space<vmem>>, vector<1x1000x128xf32>
    %get3A_8 = vector.shape_cast %get3A_7 : vector<1x1000x128xf32> to vector<1000x128xf32>
    %slice3A_9 = vector.extract_strided_slice %get3A_8 {offsets = [0, 0], sizes = [1000, 1], strides = [1, 1]} : vector<1000x128xf32> to vector<1000x1xf32>
    %add3A = arith.addf %slice3A, %slice3A_9 : vector<1000x1xf32>
    %get3A_10 = arith.constant 0 : index
    %get3A_11 = arith.constant 0 : index
    %get3A_12 = arith.constant 0 : index
    %get3A_13 = vector.load %arg2[%get3A_10, %get3A_11, %get3A_12] : memref<2x1000x128xf32, #tpu.memory_space<vmem>>, vector<1x1000x128xf32>
    %get3A_14 = vector.shape_cast %get3A_13 : vector<1x1000x128xf32> to vector<1000x128xf32>
    %get3A_15 = arith.constant 1 : index
    %get3A_16 = arith.constant 0 : index
    %get3A_17 = arith.constant 0 : index
    %get3A_18 = vector.load %arg2[%get3A_15, %get3A_16, %get3A_17] : memref<2x1000x128xf32, #tpu.memory_space<vmem>>, vector<1x1000x128xf32>
    %get3A_19 = vector.shape_cast %get3A_18 : vector<1x1000x128xf32> to vector<1000x128xf32>
    %add3A_20 = arith.addf %get3A_14, %get3A_19 : vector<1000x128xf32>
    %max3A = arith.constant 1.000000e+00 : f32
    %max3A_21 = vector.broadcast %max3A : f32 to vector<1000x1xf32>
    %max3A_22 = arith.maximumf %add3A, %max3A_21 : vector<1000x1xf32>
    %div3A = vector.broadcast %max3A_22 : vector<1000x1xf32> to vector<1000x128xf32>
    %div3A_23 = arith.divf %add3A_20, %div3A : vector<1000x128xf32>
    %get3A_24 = arith.constant 0 : index
    %get3A_25 = arith.constant 0 : index
    %get3A_26 = vector.load %arg1[%get3A_24, %get3A_25] : memref<1000x128xf32, #tpu.memory_space<vmem>>, vector<1000x128xf32>
    %get3A_27 = arith.constant 0 : index
    %get3A_28 = arith.constant 0 : index
    %get3A_29 = vector.load %arg4[%get3A_27, %get3A_28] : memref<128x128xf32, #tpu.memory_space<vmem>>, vector<128x128xf32>
    %dot_general3A = arith.constant dense<0.000000e+00> : vector<1000x128xf32>
    %dot_general3A_30 = tpu.matmul %get3A_26, %get3A_29, %dot_general3A {dimension_numbers = #tpu.dot_dimension_numbers<[1], [1], [0], [0], [0, 0, 1, 0], [], []>, transpose_lhs_hint = false} : vector<1000x128xf32>, vector<128x128xf32>, vector<1000x128xf32> -> vector<1000x128xf32>
    %get3A_31 = arith.constant 0 : index
    %get3A_32 = arith.constant 0 : index
    %get3A_33 = vector.load %arg5[%get3A_31, %get3A_32] : memref<128x128xf32, #tpu.memory_space<vmem>>, vector<128x128xf32>
    %dot_general3A_34 = arith.constant dense<0.000000e+00> : vector<1000x128xf32>
    %dot_general3A_35 = tpu.matmul %div3A_23, %get3A_33, %dot_general3A_34 {dimension_numbers = #tpu.dot_dimension_numbers<[1], [1], [0], [0], [0, 0, 1, 0], [], []>, transpose_lhs_hint = false} : vector<1000x128xf32>, vector<128x128xf32>, vector<1000x128xf32> -> vector<1000x128xf32>
    %add3A_36 = arith.addf %dot_general3A_30, %dot_general3A_35 : vector<1000x128xf32>
    %get3A_37 = arith.constant 0 : index
    %get3A_38 = arith.constant 0 : index
    %get3A_39 = vector.load %arg6[%get3A_37, %get3A_38] : memref<1x128xf32, #tpu.memory_space<vmem>>, vector<1x128xf32>
    %add3A_40 = vector.broadcast %get3A_39 : vector<1x128xf32> to vector<1000x128xf32>
    %add3A_41 = arith.addf %add3A_36, %add3A_40 : vector<1000x128xf32>
    %swap3A = arith.constant 0 : index
    %swap3A_42 = arith.constant 0 : index
    %swap3A_43 = vector.load %arg7[%swap3A, %swap3A_42] : memref<1000x128xf32, #tpu.memory_space<vmem>>, vector<1000x128xf32>
    tpu.vector_store %arg7[%swap3A, %swap3A_42], %add3A_41 {strides = array<i32>} : memref<1000x128xf32, #tpu.memory_space<vmem>>, vector<1000x128xf32>,
    return
  }
  func.func @transform_0(%arg0: i32) -> (i32, i32) {
    %c0_i32 = arith.constant 0 : i32
    %c0_i32_0 = arith.constant 0 : i32
    return %arg0, %c0_i32 : i32, i32
  }
  func.func @transform_1(%arg0: i32) -> (i32, i32, i32) {
    %c0_i32 = arith.constant 0 : i32
    %c0_i32_0 = arith.constant 0 : i32
    %c0_i32_1 = arith.constant 0 : i32
    return %c0_i32, %arg0, %c0_i32_0 : i32, i32, i32
  }
  func.func @transform_2(%arg0: i32) -> (i32, i32, i32) {
    %c0_i32 = arith.constant 0 : i32
    %c0_i32_0 = arith.constant 0 : i32
    %c0_i32_1 = arith.constant 0 : i32
    return %c0_i32, %arg0, %c0_i32_0 : i32, i32, i32
  }
  func.func @transform_3(%arg0: i32) -> (i32, i32) {
    %c0_i32 = arith.constant 0 : i32
    %c0_i32_0 = arith.constant 0 : i32
    %c0_i32_1 = arith.constant 0 : i32
    return %c0_i32, %c0_i32_0 : i32, i32
  }
  func.func @transform_4(%arg0: i32) -> (i32, i32) {
    %c0_i32 = arith.constant 0 : i32
    %c0_i32_0 = arith.constant 0 : i32
    %c0_i32_1 = arith.constant 0 : i32
    return %c0_i32, %c0_i32_0 : i32, i32
  }
  func.func @transform_5(%arg0: i32) -> (i32, i32) {
    %c0_i32 = arith.constant 0 : i32
    %c0_i32_0 = arith.constant 0 : i32
    %c0_i32_1 = arith.constant 0 : i32
    return %c0_i32, %c0_i32_0 : i32, i32
  }
  func.func @transform_6(%arg0: i32) -> (i32, i32) {
    %c0_i32 = arith.constant 0 : i32
    %c0_i32_0 = arith.constant 0 : i32
    return %arg0, %c0_i32 : i32, i32
  }
}

</mosaic_0001>

<sc_bundles>
// kernel: kernel.11.cloned.1.call-start
scs
__scs_entry_jumppad:
0x0: {  	(pc) =	sbr.rel $0x88, $3  }
0x1: {  	(tag) =	ssettag $0x0;
	lr =	simm.s32 $0x1  }
0x2: {  	[smem:$0x3F98] =	sst lr;
	_ =	strace $0xD0000000  }
0x3: {  	_ = 	snop  }
0x4: {  	_ = 	snop  }
0x5: {  	_ = 	snop  }
0x6: {  	_ = 	snop  }
0x7: {  	_ = 	snop  }
__scs_overlays_trampoline_lowered:
0x8: {  	[smem:$0x3FA7] =	sst s0  }
0x9: {  	[smem:$0x3FA8] =	sst s1  }
0xa: {  	[smem:$0x3FA9] =	sst s2  }
0xb: {  	[smem:$0x3FAA] =	sst s3  }
0xc: {  	[smem:$0x3FAB] =	sst s4  }
0xd: {  	[smem:$0x3FAC] =	sst s5  }
0xe: {  	[smem:$0x3FAD] =	sst s6  }
0xf: {  	[smem:$0x3FAE] =	sst s7  }
0x10: {  	[smem:$0x3FAF] =	sst s8  }
0x11: {  	[smem:$0x3FB0] =	sst s9;
	s0 =	simm.s32 @!p0 $0x0  }
0x12: {  	s1 =	sld [smem:$0x3F96];
	s0 =	simm.s32 @p0 $0x1  }
0x13: {  	[smem:$0x3FB1] =	sst s0;
	s0 =	simm.s32 @!p1 $0x0  }
0x14: {  	s2 =	sld [smem:$0x3F95];
	s0 =	simm.s32 @p1 $0x1  }
0x15: {  	[smem:$0x3FB2] =	sst s0;
	s0 =	simm.s32 @!p2 $0x0  }
0x16: {  	s3 =	sld [smem:$0x3FDB];
	s0 =	simm.s32 @p2 $0x1  }
0x17: {  	s4 =	simm.s32 $0x1BF5;
	[smem:$0x3FB4] =	sst s0  }
0x18: {  	s0 =	sld [smem:$0x3F97];
	_ =	swait.ge [sflag:s4], $0x0  }
0x19: {  	s7 =	sld [smem:$0x3F98]  }
0x1a: {  	s8 =	sadd.s32 $0xFFFFE003, lr  }
0x1b: {  	s9 =	sadd.s32 $0xFFFFFEF7, lr;
	s5 =	simm.s32 $0xFFFFFFFF;
	p2 =	slt.u32 s8, $0xFFFFF086  }
0x1c: {  	p1 =	slt.u32 s9, $0xF7A;
	s5 =	simm.s32 @!p2 $0x0  }
0x1d: {  	s5 =	simm.s32 @p1 $0x1;
	p0 =	seq.s32 s7, s2  }
0x1e: {  	s7 =	smul.u32 @!p0 $0xF7A, s2;
	p2 =	seq.s32 @!p0 s5, $0x0  }
0x1f: {  	s9 =	smul.u32 $0xF7A, s1;
	s8 =	simm.s32 @!p0 $0x1BF5;
	p2 =	por !p2, p0  }
0x20: {  	[sflag:s8] =	ssyncset.s32 @!p0 $0xFFFFF086;
	s6 =	sadd.s32 @!p0 s3, s7;
	s7 =	simm.s32 @!p0 $0x108  }
0x21: {  	s3 =	sadd.s32 s3, s9;
	s6 =	sadd.s32 @!p0 $0x88, s6;
	s7 =	simm.s32 @p2 $0x1082  }
0x22: {  	[simem:s7], [sflag:s8] =	dma.local @!p0 [hbm:s6], $0xF7A  }
0x23: {  	s9 =	sor.u32 $0xD0000000, s2;
	s6 =	simm.s32 $0x108;
	_ =	swait.ge @!p0 [sflag:s8], $0x0  }
0x24: {  	s3 =	sadd.s32 $0x88, s3;
	s6 =	simm.s32 @!p1 $0x1082;
	[sflag:s4] =	ssyncset.s32 $0xFFFFF086  }
0x25: {  	[simem:s6], [sflag:s4] =	dma.local [hbm:s3], $0xF7A  }
0x26: {  	[smem:$0x3F98] =	sst s1;
	(tag) =	ssettag s2;
	_ =	strace s9  }
0x27: {  	s1 =	sld [smem:$0x3FA8]  }
0x28: {  	s2 =	sld [smem:$0x3FA9]  }
0x29: {  	s4 =	sld [smem:$0x3FAB]  }
0x2a: {  	p0 =	seq.s32 s5, $0x0;
	s5 =	sld [smem:$0x3FAC]  }
0x2b: {  	s6 =	sld [smem:$0x3FAD]  }
0x2c: {  	s7 =	sld [smem:$0x3FAE]  }
0x2d: {  	s3 =	simm.s32 $0x108;
	s8 =	sld [smem:$0x3FAF]  }
0x2e: {  	s3 =	simm.s32 @!p0 $0x1082;
	s9 =	sld [smem:$0x3FB0]  }
0x2f: {  	lr =	sadd.s32 s0, s3;
	s0 =	sld [smem:$0x3FA7]  }
0x30: {  	s3 =	sld [smem:$0x3FAA]  }
0x31: {  	[smem:$0x3FB3] =	sst s10  }
0x32: {  	s10 =	sld [smem:$0x3FB1];
	_ =	sdelay $0x3  }
0x33: {  	p0 =	seq.s32 s10, $0x1;
	s10 =	sld [smem:$0x3FB3];
	_ =	sdelay $0x3  }
0x34: {  	[smem:$0x3FB3] =	sst s10  }
0x35: {  	s10 =	sld [smem:$0x3FB2];
	_ =	sdelay $0x3  }
0x36: {  	p1 =	seq.s32 s10, $0x1;
	s10 =	sld [smem:$0x3FB3];
	_ =	sdelay $0x3  }
0x37: {  	[smem:$0x3FB3] =	sst s10  }
0x38: {  	s10 =	sld [smem:$0x3FB4]  }
0x39: {  	_ = 	snop;
	(pc) =	sbr.ind lr, $3  }
0x3a: {  	_ = 	snop  }
0x3b: {  	_ = 	snop  }
0x3c: {  	p2 =	seq.s32 s10, $0x1;
	s10 =	sld [smem:$0x3FB3]  }
0x3d: {  	_ =	shalt  }
0x3e: {  	_ =	shalt  }
0x3f: {  	_ =	shalt  }
0x40: {  	_ =	shalt  }
0x41: {  	_ =	shalt  }
0x42: {  	_ =	shalt  }
0x43: {  	_ =	shalt  }
0x44: {  	_ =	shalt  }
0x45: {  	_ =	shalt  }
0x46: {  	_ =	shalt  }
0x47: {  	_ =	shalt  }
0x48: {  	_ =	shalt  }
0x49: {  	_ =	shalt  }
0x4a: {  	_ =	shalt  }
0x4b: {  	_ =	shalt  }
0x4c: {  	_ =	shalt  }
0x4d: {  	_ =	shalt  }
0x4e: {  	_ =	shalt  }
0x4f: {  	_ =	shalt  }
0x50: {  	_ =	shalt  }
0x51: {  	_ =	shalt  }
0x52: {  	_ =	shalt  }
0x53: {  	_ =	shalt  }
0x54: {  	_ =	shalt  }
0x55: {  	_ =	shalt  }
0x56: {  	_ =	shalt  }
0x57: {  	_ =	shalt  }
0x58: {  	_ =	shalt  }
0x59: {  	_ =	shalt  }
0x5a: {  	_ =	shalt  }
0x5b: {  	_ =	shalt  }
0x5c: {  	_ =	shalt  }
0x5d: {  	_ =	shalt  }
0x5e: {  	_ =	shalt  }
0x5f: {  	_ =	shalt  }
0x60: {  	_ =	shalt  }
0x61: {  	_ =	shalt  }
0x62: {  	_ =	shalt  }
0x63: {  	_ =	shalt  }
0x64: {  	_ =	shalt  }
0x65: {  	_ =	shalt  }
0x66: {  	_ =	shalt  }
0x67: {  	_ =	shalt  }
0x68: {  	_ =	shalt  }
0x69: {  	_ =	shalt  }
0x6a: {  	_ =	shalt  }
0x6b: {  	_ =	shalt  }
0x6c: {  	_ =	shalt  }
0x6d: {  	_ =	shalt  }
0x6e: {  	_ =	shalt  }
0x6f: {  	_ =	shalt  }
0x70: {  	_ =	shalt  }
0x71: {  	_ =	shalt  }
0x72: {  	_ =	shalt  }
0x73: {  	_ =	shalt  }
0x74: {  	_ =	shalt  }
0x75: {  	_ =	shalt  }
0x76: {  	_ =	shalt  }
0x77: {  	_ =	shalt  }
0x78: {  	_ =	shalt  }
0x79: {  	_ =	shalt  }
0x7a: {  	_ =	shalt  }
0x7b: {  	_ =	shalt  }
0x7c: {  	_ =	shalt  }
0x7d: {  	_ =	shalt  }
0x7e: {  	_ =	shalt  }
0x7f: {  	_ =	shalt  }
0x80: {  	_ =	shalt  }
0x81: {  	_ =	shalt  }
0x82: {  	_ =	shalt  }
0x83: {  	_ =	shalt  }
0x84: {  	_ =	shalt  }
0x85: {  	_ =	shalt  }
0x86: {  	_ =	shalt  }
0x87: {  	_ =	shalt  }
.Lfunc_end0:
.L_simem_size_0:
called_computation.1_lowered:
.L_overlay_start_0:
0x88: {  	s2 =	sld [smem:$0x3FD9]  }
0x89: {  	s3 =	sld [smem:$0x3FFE];
	_ =	sdelay $0x1  }
0x8a: {  	s1 =	srdreg.scid  }
0x8b: {  	s0 =	sand.u32 $0x1, s1  }
0x8c: {  	s17 =	sshll.u32 s0, $0xA;
	s2 =	sadd.s32 s3, s2  }
0x8d: {  	s2 =	sadd.s32 s2, s17  }
0x8e: {  	[smem:$0x3FBF] =	sst s2  }
0x8f: {  	_ = 	snop  }
0x90: {  	(tm) =	ssettm $0x1  }
0x91: {  	s18 =	sld [smem:$0x3FFB];
	_ =	sdelay $0x3  }
0x92: {  	_ =	strace s18  }
0x93: {  	s2 =	sld [smem:$0x3FFC];
	_ =	sdelay $0x3  }
0x94: {  	_ =	strace s2  }
0x95: {  	s2 =	sld [smem:$0x3FFD];
	_ =	sdelay $0x3  }
0x96: {  	_ =	strace s2  }
0x97: {  	_ =	strace $0x8FFFFFFF  }
0x98: {  	s19 =	sld [smem:$0x3FDB];
	_ =	sdelay $0x1  }
0x99: {  	s20 =	simm.s32 $_scs_section_size  }
0x9a: {  	s4 =	simm.s32 $_size__tile_overlayer_lowered;
	s5 =	simm.s32 $_tile_overlayer_lowered  }
0x9b: {  	s6 =	simm.s32 $0x1BFF;
	s21 =	sshll.u32 s5, $0x1;
	s3 =	sadd.s32 s20, s19  }
0x9c: {  	s22 =	simm.s32 $0x0;
	s4 =	sshll.u32 s4, $0x1;
	s5 =	sadd.s32 s21, s3  }
0x9d: {  	[timem:s22], [sflag:s6] =	dma.local [hbm:s5], s4  }
0x9e: {  	_ =	swait.ge [sflag:s6], s4  }
0x9f: {  	s4 =	ssub.s32 $0x0, s4;
	[sflag:s6] =	ssyncset.done $0x0  }
0xa0: {  	[sflag:s6] =	ssyncadd.s32 s4;
	_ =	sdelay $0x1  }
0xa1: {  	s23 =	simm.s32 $0x1B8B  }
0xa2: {  	_ =	swait.ge [sflag:s23], $0x1  }
0xa3: {  	[sflag:s23] =	ssyncset.done $0x0  }
0xa4: {  	[sflag:s23] =	ssyncadd.s32 $0xFFFFFFFF  }
0xa5: {  	s4 =	sld [smem:$0x0]  }
0xa6: {  	s5 =	sand.u32 $0xFFFFFFFE, s1  }
0xa7: {  	p0 =	sne.s32 s1, s5  }
0xa8: {  	s5 =	sshll.u32 @p0 s5, $0xE  }
0xa9: {  	s5 =	sadd.s32 @p0 $0x11B8D, s5;
	s6 =	sshll.u32 @p0 s4, $0x11  }
0xaa: {  	s5 =	sor.u32 @p0 s6, s5  }
0xab: {  	[sflag:s5] =	ssyncadd.remote.s32 @p0 $0x1;
	_ =	sdelay $0x1  }
0xac: {  	s5 =	simm.s32 @p0 $0x1B8D  }
0xad: {  	_ =	swait.eq @p0 [sflag:s5], $0x1  }
0xae: {  	[sflag:s5] =	ssyncadd.s32 @p0 $0xFFFFFFFF  }
0xaf: {  	s6 =	sshll.u32 @!p0 s1, $0xE  }
0xb0: {  	s6 =	sor.u32 @!p0 $0x4000, s6;
	s5 =	simm.s32 @!p0 $0x1B8D  }
0xb1: {  	s4 =	sshll.u32 @!p0 s4, $0x11;
	s6 =	sadd.s32 @!p0 $0x11B8D, s6;
	_ =	swait.eq @!p0 [sflag:s5], $0x1  }
0xb2: {  	s4 =	sor.u32 @!p0 s4, s6;
	[sflag:s5] =	ssyncadd.s32 @!p0 $0xFFFFFFFF  }
0xb3: {  	s25 =	simm.s32 $0x1B8E;
	s24 =	sld [smem:$0x3FFE];
	[sflag:s4] =	ssyncadd.remote.s32 @!p0 $0x1  }
0xb4: {  	s26 =	simm.s32 $execute0_lowered;
	[smem:$0x3FD2] =	sst s25  }
0xb5: {  	s5 =	sshll.u32 s26, $0x1;
	_ =	strace $0x8000004C;
	[dreg:$0x1] =	wrdreg $0xFFFFFFFF  }
0xb6: {  	s28 =	simm.s32 $_size_execute0_lowered;
	s3 =	sadd.s32 s3, s5;
	[dreg:$0x0] =	wrdreg $0x0  }
0xb7: {  	s5 =	sshll.u32 s28, $0x1;
	[dreg:$0x2] =	wrdreg s3  }
0xb8: {  	[dreg:$0x3] =	wrdreg s5  }
0xb9: {  	[dreg:$0x4] =	wrdreg $0xC0  }
0xba: {  	_ =	task [dreg:s22], $0x5FFFF  }
0xbb: {  	[dreg:$0x1] =	wrdreg $0xFFFFFFFF  }
0xbc: {  	[dreg:$0x0] =	wrdreg $0x60  }
0xbd: {  	[dreg:$0x2] =	wrdreg s24  }
0xbe: {  	[dreg:$0x3] =	wrdreg $0x0  }
0xbf: {  	[dreg:$0x4] =	wrdreg $0x9  }
0xc0: {  	_ =	task.clear_ibuf [dreg:s22], $0x5FFFF;
	_ =	strace $0x9000004C  }
0xc1: {  	s29 =	simm.s32 $0x9;
	_ =	strace $0x8000004E  }
0xc2: {  	_ =	swait.ge [sflag:s29], $0x1  }
0xc3: {  	[sflag:s29] =	ssyncadd.s32 $0xFFFFFFFF  }
0xc4: {  	_ =	strace $0x9000004E  }
0xc5: {  	_ =	sfence  }
0xc6: {  	s30 =	sld [smem:$0x0];
	_ =	sdelay $0x2  }
0xc7: {  	s31 =	sshll.u32 s1, $0xD;
	s1 =	sshrl.u32 s1, $0x2  }
0xc8: {  	s4 =	sand.u32 $0x4000, s31;
	s1 =	sadd.s32 s1, s30  }
0xc9: {  	s0 =	sor.u32 s4, s0;
	s1 =	sshll.u32 s1, $0x11  }
0xca: {  	s0 =	sor.u32 s1, s0  }
0xcb: {  	s0 =	sadd.s32 $0x8F2B, s0  }
0xcc: {  	[sflag:s0] =	ssyncadd.remote.s32 $0x1  }
0xcd: {  	_ =	sfence.sel $0xFFFF  }
0xce: {  	[dreg:$0x0] =	wrdreg $0xFFFFFFFF;
	(pc) =	sbr.abs _section_cstart, $3  }
0xcf: {  	[dreg:$0x1] =	wrdreg $0xFFFFFFFF  }
0xd0: {  	_ =	task.clear_ibuf [dreg:s22], $0x2FFFF;
	_ =	strace $0x9FFFFFFF  }
0xd1: {  	(tm) =	ssettm $0x7FFFFFFF  }
tec
execute0_lowered:
.L_overlay_start_1:
0x0: {  	(tag) =	ssettag $0x1  }
0x1: {  	s4 =	rddreg [dreg:$0x0];
	s0 =	stileid.u32  }
0x2: {  	s1 =	srdreg.scid;
	s2 =	rddreg [dreg:$0x1]  }
0x3: {  	s3 =	simm.s32 $0x0;
	s15 =	simm.s32 $0x1;
	s16 =	simm.s32 $0x28  }
0x4: {  	s17 =	simm.s32 $0x14100;
	s18 =	simm.s32 $0x2;
	s19 =	simm.s32 $0x0  }
0x5: {  	s5 =	smul.u32 $0x14000, s0;
	s6 =	sand.u32 $0x1, s1;
	s1 =	rddreg [dreg:$0x2]  }
0x6: {  	[smem:$0x7FF] =	sst s3;
	s9 =	sadd.s32 $0xD4000, s4;
	s11 =	smul.u32 $0x50000, s0  }
0x7: {  	s10 =	sshll.u32 s0, $0x1;
	s30 =	sshll.u32 s0, $0x6;
	s13 =	smul.u32 $0xA, s0  }
0x8: {  	s7 =	smul.u32 $0x140000, s6;
	_ =	strace $0x8000004D;
	s25 =	ssub.s32 $0x2, s6  }
0x9: {  	s28 =	sor.u32 s6, s10;
	s14 =	smul.u32 $0x5, s6;
	s8 =	sshrl.u32 s5, $0x3  }
0xa: {  	s26 =	sshrl.u32 s25, $0x1;
	s29 =	sshrl.u32 s11, $0x2;
	s10 =	smul.u32 $0x5, s28  }
0xb: {  	s31 =	sadd.s32 s13, s9;
	s13 =	simm.s32 $0x14000;
	s5 =	sadd.s32 s5, s7  }
0xc: {  	s24 =	sadd.s32 s8, s4;
	s8 =	ssub.s32 s25, s26;
	s11 =	sadd.s32 s29, s2  }
0xd: {  	s5 =	sshrl.u32 s5, $0x3;
	s6 =	sadd.s32 s9, s10;
	s8 =	smax.u32 s8, $0x1  }
0xe: {  	s10 =	sadd.s32 s14, s31;
	s11 =	sshrl.u32 s11, $0x3;
	s14 =	simm.s32 $0x14080  }
0xf: {  	s12 =	sadd.s32 s5, s4;
	s4 =	sadd.s32 $0xC000, s24;
	s5 =	sor.u32 $0x1C03, s30  }
0x10: {  	v0 =	vimm.f32 $1.000000000e+00;
	s9 =	sadd.s32 $0x9BA0, s6;
	s7 =	sadd.s32 $0xE7C00, s12;
	s12 =	simm.s32 $0x3  }
.LBB2_1:
0x11: {  	[spmem:s11], [sflag:s5] =	dma.local [hbm:s4], $0x2800  }
0x12: {  	_ =	swait.ge [sflag:s12], $0x2800  }
0x13: {  	[sflag:s12] =	ssyncset.done $0x0  }
0x14: {  	s20 =	simm.s32 $0x0;
	s21 =	simm.s32 $0x200;
	[sflag:s12] =	ssyncadd.s32 $0xFFFFD800  }
.LBB2_2:
0x15: {  	p0 =	sne.s32 s21, $0x4E00;
	[tilespmem:s20+$0x14170] =	vst v0  }
0x16: {  	[tilespmem:s20+$0x14100] =	vst v0  }
0x17: {  	[tilespmem:s20+$0x14110] =	vst v0  }
.Ltmp0:
0x18: {  	[tilespmem:s20+$0x14120] =	vst v0;
	(pc) =	sbr.rel @p0 .LBB2_2-.Ltmp0, $4  }
0x19: {  	[tilespmem:s20+$0x14130] =	vst v0  }
0x1a: {  	[tilespmem:s20+$0x14140] =	vst v0  }
0x1b: {  	[tilespmem:s20+$0x14150] =	vst v0  }
0x1c: {  	[tilespmem:s20+$0x14160] =	vst v0;
	s20 =	sshra.s32 s21, $0x2;
	s21 =	sadd.s32 $0x200, s21  }
0x1d: {  	[tilespmem:s20+$0x14170] =	vst v0  }
0x1e: {  	[tilespmem:s20+$0x14100] =	vst v0  }
0x1f: {  	[tilespmem:s20+$0x14110] =	vst v0  }
0x20: {  	[tilespmem:s20+$0x14120] =	vst v0  }
0x21: {  	[tilespmem:s20+$0x14130] =	vst v0  }
0x22: {  	[tilespmem:s20+$0x14140] =	vst v0  }
0x23: {  	[tilespmem:s20+$0x14150] =	vst v0  }
0x24: {  	[tilespmem:s20+$0x14160] =	vst v0  }
0x25: {  	s31 =	sadd.s32 $0xFFFF6500, s10;
	[bflag:$0x0] =	sbarrier.arrive $0xFFFF  }
0x26: {  	[tilespmem:s13], [sflag:$0x1] =	stream.linear.gather [hbm4b:s6+s3], $0x28, $0x38;
	[tilespmem:$0x15500] =	vst v63  }
0x27: {  	s21 =	sadd.s32 $0x9BA0, s31  }
0x28: {  	[tilespmem:s14], [sflag:$0x2] =	stream.linear.gather [hbm4b:s21+s3], $0x28, $0x38;
	[tilespmem:$0x15500] =	vst v63  }
0x29: {  	_ =	swait.ge [sflag:s15], $0x28  }
0x2a: {  	[sflag:s15] =	ssyncset.done $0x0  }
0x2b: {  	[sflag:s15] =	ssyncadd.s32 $0xFFFFFFD8  }
0x2c: {  	[spmem:s2] =	stream.indirect.scatter.add.f32 [tilespmem:s17], [sflag:$0x3], $0x80, s13, s16, $0xb8;
	[tilespmem:$0x15500] =	vst v63  }
0x2d: {  	_ =	swait.ge [sflag:s12], $0x1400  }
0x2e: {  	[sflag:s12] =	ssyncset.done $0x0  }
0x2f: {  	s20 =	sadd.s32 $0x9C40, s31;
	[sflag:s12] =	ssyncadd.s32 $0xFFFFEC00  }
0x30: {  	[tilespmem:s13], [sflag:$0x1] =	stream.linear.gather [hbm4b:s20+s3], $0x28, $0x38;
	[tilespmem:$0x15500] =	vst v63  }
0x31: {  	_ =	swait.ge [sflag:s18], $0x28  }
0x32: {  	[sflag:s18] =	ssyncset.done $0x0  }
0x33: {  	[sflag:s18] =	ssyncadd.s32 $0xFFFFFFD8  }
0x34: {  	[spmem:s2] =	stream.indirect.scatter.add.f32 [tilespmem:s17], [sflag:$0x3], $0x80, s14, s16, $0xb8;
	[tilespmem:$0x15500] =	vst v63  }
0x35: {  	_ =	swait.ge [sflag:s12], $0x1400  }
0x36: {  	s21 =	simm.s32 $0xFFFF6780;
	s20 =	sadd.s32 $0xFFFF6640, s10;
	[sflag:s12] =	ssyncset.done $0x0  }
.LBB2_4:
0x37: {  	s22 =	sadd.s32 $0x9BA0, s20  }
0x38: {  	[sflag:s12] =	ssyncadd.s32 $0xFFFFEC00;
	s23 =	smov.u32 s21;
	s24 =	sadd.s32 $0x140, s21  }
0x39: {  	[tilespmem:s14], [sflag:$0x2] =	stream.linear.gather [hbm4b:s22+s3], $0x28, $0x38;
	[tilespmem:$0x15500] =	vst v63  }
0x3a: {  	p0 =	sne.s32 s21, $0xFFFFFEC0;
	_ =	swait.ge [sflag:s15], $0x28  }
0x3b: {  	[sflag:s15] =	ssyncset.done $0x0  }
0x3c: {  	[sflag:s15] =	ssyncadd.s32 $0xFFFFFFD8  }
0x3d: {  	[spmem:s2] =	stream.indirect.scatter.add.f32 [tilespmem:s17], [sflag:$0x3], $0x80, s13, s16, $0xb8;
	[tilespmem:$0x15500] =	vst v63  }
0x3e: {  	_ =	swait.ge [sflag:s12], $0x1400  }
0x3f: {  	[sflag:s12] =	ssyncset.done $0x0  }
0x40: {  	s20 =	sadd.s32 $0x9C40, s20;
	[sflag:s12] =	ssyncadd.s32 $0xFFFFEC00  }
0x41: {  	[tilespmem:s13], [sflag:$0x1] =	stream.linear.gather [hbm4b:s20+s3], $0x28, $0x38;
	[tilespmem:$0x15500] =	vst v63  }
0x42: {  	_ =	swait.ge [sflag:s18], $0x28  }
.Ltmp1:
0x43: {  	[sflag:s18] =	ssyncset.done $0x0;
	(pc) =	sbr.rel @p0 .LBB2_4-.Ltmp1, $4  }
0x44: {  	[sflag:s18] =	ssyncadd.s32 $0xFFFFFFD8  }
0x45: {  	[spmem:s2] =	stream.indirect.scatter.add.f32 [tilespmem:s17], [sflag:$0x3], $0x80, s14, s16, $0xb8;
	[tilespmem:$0x15500] =	vst v63  }
0x46: {  	_ =	swait.ge [sflag:s12], $0x1400  }
0x47: {  	s21 =	smov.u32 s24;
	s20 =	sadd.s32 s23, s10;
	[sflag:s12] =	ssyncset.done $0x0  }
0x48: {  	s21 =	sadd.s32 $0x9BA0, s20;
	[sflag:s12] =	ssyncadd.s32 $0xFFFFEC00  }
0x49: {  	[tilespmem:s14], [sflag:$0x2] =	stream.linear.gather [hbm4b:s21+s3], $0x28, $0x38;
	[tilespmem:$0x15500] =	vst v63  }
0x4a: {  	_ =	swait.ge [sflag:s15], $0x28  }
0x4b: {  	[sflag:s15] =	ssyncset.done $0x0  }
0x4c: {  	[sflag:s15] =	ssyncadd.s32 $0xFFFFFFD8  }
0x4d: {  	[spmem:s2] =	stream.indirect.scatter.add.f32 [tilespmem:s17], [sflag:$0x3], $0x80, s13, s16, $0xb8;
	[tilespmem:$0x15500] =	vst v63  }
0x4e: {  	_ =	swait.ge [sflag:s12], $0x1400  }
0x4f: {  	[sflag:s12] =	ssyncset.done $0x0  }
0x50: {  	s31 =	sadd.s32 $0x9C40, s20;
	[sflag:s12] =	ssyncadd.s32 $0xFFFFEC00  }
0x51: {  	[tilespmem:s13], [sflag:$0x1] =	stream.linear.gather [hbm4b:s31+s3], $0x28, $0x38;
	[tilespmem:$0x15500] =	vst v63  }
0x52: {  	_ =	swait.ge [sflag:s18], $0x28  }
0x53: {  	[sflag:s18] =	ssyncset.done $0x0  }
0x54: {  	[sflag:s18] =	ssyncadd.s32 $0xFFFFFFD8  }
0x55: {  	[spmem:s2] =	stream.indirect.scatter.add.f32 [tilespmem:s17], [sflag:$0x3], $0x80, s14, s16, $0xb8;
	[tilespmem:$0x15500] =	vst v63  }
0x56: {  	_ =	swait.ge [sflag:s12], $0x1400  }
0x57: {  	[sflag:s12] =	ssyncset.done $0x0  }
0x58: {  	[sflag:s12] =	ssyncadd.s32 $0xFFFFEC00  }
0x59: {  	[tilespmem:s14], [sflag:$0x2] =	stream.linear.gather [hbm4b:s9+s3], $0x28, $0x38;
	[tilespmem:$0x15500] =	vst v63  }
0x5a: {  	_ =	swait.ge [sflag:s15], $0x28  }
0x5b: {  	[sflag:s15] =	ssyncset.done $0x0  }
0x5c: {  	[sflag:s15] =	ssyncadd.s32 $0xFFFFFFD8  }
0x5d: {  	[spmem:s2] =	stream.indirect.scatter.add.f32 [tilespmem:s17], [sflag:$0x3], $0x80, s13, s16, $0xb8;
	[tilespmem:$0x15500] =	vst v63  }
0x5e: {  	_ =	swait.ge [sflag:s12], $0x1400  }
0x5f: {  	[sflag:s12] =	ssyncset.done $0x0  }
0x60: {  	[sflag:s12] =	ssyncadd.s32 $0xFFFFEC00  }
0x61: {  	_ =	swait.ge [sflag:s18], $0x28  }
0x62: {  	[sflag:s18] =	ssyncset.done $0x0  }
0x63: {  	[sflag:s18] =	ssyncadd.s32 $0xFFFFFFD8  }
0x64: {  	[spmem:s2] =	stream.indirect.scatter.add.f32 [tilespmem:s17], [sflag:$0x3], $0x80, s14, s16, $0xb8;
	[tilespmem:$0x15500] =	vst v63  }
0x65: {  	_ =	swait.ge [sflag:s12], $0x1400  }
0x66: {  	s19 =	sadd.s32 $0x1, s19;
	[sflag:s12] =	ssyncset.done $0x0  }
0x67: {  	p0 =	sne.s32 s19, s8;
	[sflag:s12] =	ssyncadd.s32 $0xFFFFEC00  }
.Ltmp2:
0x68: {  	[bflag:$0x0] =	sbarrier.arrive $0xFFFF;
	(pc) =	sbr.rel @p0 .LBB2_1-.Ltmp2, $4  }
0x69: {  	[hbm:s7], [sflag:s5] =	dma.local [spmem:s11], $0x2800  }
0x6a: {  	_ =	swait.ge [sflag:s12], $0x2800  }
0x6b: {  	[sflag:s12] =	ssyncset.done $0x0  }
0x6c: {  	[sflag:s12] =	ssyncadd.s32 $0xFFFFD800  }
0x6d: {  	_ =	sfence.sel $0x180000  }
0x6e: {  	[bflag:$0x0] =	sbarrier.arrive $0xFFFF  }
0x6f: {  	p0 =	sne.s32 s0, $0x0;
	_ =	strace $0x9000004D  }
0x70: {  	s0 =	sadd.s32 @!p0 $0x100000, s1;
	[bflag:$0x2] =	sbarrier.arrive $0xFFFF  }
0x71: {  	[sflag:s0] =	ssyncadd.tile.s32 @!p0 $0x1;
	_ =	shalt  }
.Lfunc_end2:
_tile_overlayer_lowered:
.L_overlay_start_2:
0x72: {  	(tag) =	ssettag $0x2  }
0x73: {  	s0 =	rddreg [dreg:$0x0];
	s2 =	stileid.u32  }
0x74: {  	s1 =	rddreg [dreg:$0x1];
	p0 =	sne.s32 s2, $0x0  }
0x75: {  	s3 =	rddreg [dreg:$0x2];
	[bflag:$0x3] =	sbarrier.arrive $0xFFFF;
	s2 =	simm.s32 @!p0 $0x1C03  }
0x76: {  	[timem:s3], [sflag:s2] =	dma.local @!p0 [hbm:s0], s1  }
0x77: {  	s0 =	simm.s32 @!p0 $0x3  }
0x78: {  	_ =	swait.ge @!p0 [sflag:s0], s1  }
0x79: {  	s1 =	ssub.s32 @!p0 $0x0, s1;
	[sflag:s0] =	ssyncset.done @!p0 $0x0  }
0x7a: {  	[sflag:s0] =	ssyncadd.s32 @!p0 s1  }
0x7b: {  	[bflag:$0x3] =	sbarrier.arrive $0xFFFF  }
0x7c: {  	_ =	shalt  }

// kernel: kernel.14.cloned.1.call-start
scs
__scs_entry_jumppad:
0x0: {  	(pc) =	sbr.rel $0x88, $3  }
0x1: {  	(tag) =	ssettag $0x0;
	lr =	simm.s32 $0x1  }
0x2: {  	[smem:$0x3F98] =	sst lr;
	_ =	strace $0xD0000000  }
0x3: {  	_ = 	snop  }
0x4: {  	_ = 	snop  }
0x5: {  	_ = 	snop  }
0x6: {  	_ = 	snop  }
0x7: {  	_ = 	snop  }
__scs_overlays_trampoline_lowered:
0x8: {  	[smem:$0x3FA7] =	sst s0  }
0x9: {  	[smem:$0x3FA8] =	sst s1  }
0xa: {  	[smem:$0x3FA9] =	sst s2  }
0xb: {  	[smem:$0x3FAA] =	sst s3  }
0xc: {  	[smem:$0x3FAB] =	sst s4  }
0xd: {  	[smem:$0x3FAC] =	sst s5  }
0xe: {  	[smem:$0x3FAD] =	sst s6  }
0xf: {  	[smem:$0x3FAE] =	sst s7  }
0x10: {  	[smem:$0x3FAF] =	sst s8  }
0x11: {  	[smem:$0x3FB0] =	sst s9;
	s0 =	simm.s32 @!p0 $0x0  }
0x12: {  	s1 =	sld [smem:$0x3F96];
	s0 =	simm.s32 @p0 $0x1  }
0x13: {  	[smem:$0x3FB1] =	sst s0;
	s0 =	simm.s32 @!p1 $0x0  }
0x14: {  	s2 =	sld [smem:$0x3F95];
	s0 =	simm.s32 @p1 $0x1  }
0x15: {  	[smem:$0x3FB2] =	sst s0;
	s0 =	simm.s32 @!p2 $0x0  }
0x16: {  	s3 =	sld [smem:$0x3FDB];
	s0 =	simm.s32 @p2 $0x1  }
0x17: {  	s4 =	simm.s32 $0x1BF5;
	[smem:$0x3FB4] =	sst s0  }
0x18: {  	s0 =	sld [smem:$0x3F97];
	_ =	swait.ge [sflag:s4], $0x0  }
0x19: {  	s7 =	sld [smem:$0x3F98]  }
0x1a: {  	s8 =	sadd.s32 $0xFFFFE003, lr  }
0x1b: {  	s9 =	sadd.s32 $0xFFFFFEF7, lr;
	s5 =	simm.s32 $0xFFFFFFFF;
	p2 =	slt.u32 s8, $0xFFFFF086  }
0x1c: {  	p1 =	slt.u32 s9, $0xF7A;
	s5 =	simm.s32 @!p2 $0x0  }
0x1d: {  	s5 =	simm.s32 @p1 $0x1;
	p0 =	seq.s32 s7, s2  }
0x1e: {  	s7 =	smul.u32 @!p0 $0xF7A, s2;
	p2 =	seq.s32 @!p0 s5, $0x0  }
0x1f: {  	s9 =	smul.u32 $0xF7A, s1;
	s8 =	simm.s32 @!p0 $0x1BF5;
	p2 =	por !p2, p0  }
0x20: {  	[sflag:s8] =	ssyncset.s32 @!p0 $0xFFFFF086;
	s6 =	sadd.s32 @!p0 s3, s7;
	s7 =	simm.s32 @!p0 $0x108  }
0x21: {  	s3 =	sadd.s32 s3, s9;
	s6 =	sadd.s32 @!p0 $0x88, s6;
	s7 =	simm.s32 @p2 $0x1082  }
0x22: {  	[simem:s7], [sflag:s8] =	dma.local @!p0 [hbm:s6], $0xF7A  }
0x23: {  	s9 =	sor.u32 $0xD0000000, s2;
	s6 =	simm.s32 $0x108;
	_ =	swait.ge @!p0 [sflag:s8], $0x0  }
0x24: {  	s3 =	sadd.s32 $0x88, s3;
	s6 =	simm.s32 @!p1 $0x1082;
	[sflag:s4] =	ssyncset.s32 $0xFFFFF086  }
0x25: {  	[simem:s6], [sflag:s4] =	dma.local [hbm:s3], $0xF7A  }
0x26: {  	[smem:$0x3F98] =	sst s1;
	(tag) =	ssettag s2;
	_ =	strace s9  }
0x27: {  	s1 =	sld [smem:$0x3FA8]  }
0x28: {  	s2 =	sld [smem:$0x3FA9]  }
0x29: {  	s4 =	sld [smem:$0x3FAB]  }
0x2a: {  	p0 =	seq.s32 s5, $0x0;
	s5 =	sld [smem:$0x3FAC]  }
0x2b: {  	s6 =	sld [smem:$0x3FAD]  }
0x2c: {  	s7 =	sld [smem:$0x3FAE]  }
0x2d: {  	s3 =	simm.s32 $0x108;
	s8 =	sld [smem:$0x3FAF]  }
0x2e: {  	s3 =	simm.s32 @!p0 $0x1082;
	s9 =	sld [smem:$0x3FB0]  }
0x2f: {  	lr =	sadd.s32 s0, s3;
	s0 =	sld [smem:$0x3FA7]  }
0x30: {  	s3 =	sld [smem:$0x3FAA]  }
0x31: {  	[smem:$0x3FB3] =	sst s10  }
0x32: {  	s10 =	sld [smem:$0x3FB1];
	_ =	sdelay $0x3  }
0x33: {  	p0 =	seq.s32 s10, $0x1;
	s10 =	sld [smem:$0x3FB3];
	_ =	sdelay $0x3  }
0x34: {  	[smem:$0x3FB3] =	sst s10  }
0x35: {  	s10 =	sld [smem:$0x3FB2];
	_ =	sdelay $0x3  }
0x36: {  	p1 =	seq.s32 s10, $0x1;
	s10 =	sld [smem:$0x3FB3];
	_ =	sdelay $0x3  }
0x37: {  	[smem:$0x3FB3] =	sst s10  }
0x38: {  	s10 =	sld [smem:$0x3FB4]  }
0x39: {  	_ = 	snop;
	(pc) =	sbr.ind lr, $3  }
0x3a: {  	_ = 	snop  }
0x3b: {  	_ = 	snop  }
0x3c: {  	p2 =	seq.s32 s10, $0x1;
	s10 =	sld [smem:$0x3FB3]  }
0x3d: {  	_ =	shalt  }
0x3e: {  	_ =	shalt  }
0x3f: {  	_ =	shalt  }
0x40: {  	_ =	shalt  }
0x41: {  	_ =	shalt  }
0x42: {  	_ =	shalt  }
0x43: {  	_ =	shalt  }
0x44: {  	_ =	shalt  }
0x45: {  	_ =	shalt  }
0x46: {  	_ =	shalt  }
0x47: {  	_ =	shalt  }
0x48: {  	_ =	shalt  }
0x49: {  	_ =	shalt  }
0x4a: {  	_ =	shalt  }
0x4b: {  	_ =	shalt  }
0x4c: {  	_ =	shalt  }
0x4d: {  	_ =	shalt  }
0x4e: {  	_ =	shalt  }
0x4f: {  	_ =	shalt  }
0x50: {  	_ =	shalt  }
0x51: {  	_ =	shalt  }
0x52: {  	_ =	shalt  }
0x53: {  	_ =	shalt  }
0x54: {  	_ =	shalt  }
0x55: {  	_ =	shalt  }
0x56: {  	_ =	shalt  }
0x57: {  	_ =	shalt  }
0x58: {  	_ =	shalt  }
0x59: {  	_ =	shalt  }
0x5a: {  	_ =	shalt  }
0x5b: {  	_ =	shalt  }
0x5c: {  	_ =	shalt  }
0x5d: {  	_ =	shalt  }
0x5e: {  	_ =	shalt  }
0x5f: {  	_ =	shalt  }
0x60: {  	_ =	shalt  }
0x61: {  	_ =	shalt  }
0x62: {  	_ =	shalt  }
0x63: {  	_ =	shalt  }
0x64: {  	_ =	shalt  }
0x65: {  	_ =	shalt  }
0x66: {  	_ =	shalt  }
0x67: {  	_ =	shalt  }
0x68: {  	_ =	shalt  }
0x69: {  	_ =	shalt  }
0x6a: {  	_ =	shalt  }
0x6b: {  	_ =	shalt  }
0x6c: {  	_ =	shalt  }
0x6d: {  	_ =	shalt  }
0x6e: {  	_ =	shalt  }
0x6f: {  	_ =	shalt  }
0x70: {  	_ =	shalt  }
0x71: {  	_ =	shalt  }
0x72: {  	_ =	shalt  }
0x73: {  	_ =	shalt  }
0x74: {  	_ =	shalt  }
0x75: {  	_ =	shalt  }
0x76: {  	_ =	shalt  }
0x77: {  	_ =	shalt  }
0x78: {  	_ =	shalt  }
0x79: {  	_ =	shalt  }
0x7a: {  	_ =	shalt  }
0x7b: {  	_ =	shalt  }
0x7c: {  	_ =	shalt  }
0x7d: {  	_ =	shalt  }
0x7e: {  	_ =	shalt  }
0x7f: {  	_ =	shalt  }
0x80: {  	_ =	shalt  }
0x81: {  	_ =	shalt  }
0x82: {  	_ =	shalt  }
0x83: {  	_ =	shalt  }
0x84: {  	_ =	shalt  }
0x85: {  	_ =	shalt  }
0x86: {  	_ =	shalt  }
0x87: {  	_ =	shalt  }
.Lfunc_end0:
.L_simem_size_0:
called_computation.2_lowered:
.L_overlay_start_0:
0x88: {  	s2 =	sld [smem:$0x3FD9]  }
0x89: {  	s3 =	sld [smem:$0x3FFE];
	_ =	sdelay $0x1  }
0x8a: {  	s1 =	srdreg.scid  }
0x8b: {  	s0 =	sand.u32 $0x1, s1  }
0x8c: {  	s17 =	sshll.u32 s0, $0xA;
	s2 =	sadd.s32 s3, s2  }
0x8d: {  	s2 =	sadd.s32 s2, s17  }
0x8e: {  	[smem:$0x3FBF] =	sst s2  }
0x8f: {  	_ = 	snop  }
0x90: {  	s2 =	sld [smem:$0x3FC9]  }
0x91: {  	s18 =	sld [smem:$0x3FD0];
	(tm) =	ssettm $0x1  }
0x92: {  	s4 =	sld [smem:$0x3FFB];
	_ =	sdelay $0x3  }
0x93: {  	_ =	strace s4  }
0x94: {  	s4 =	sld [smem:$0x3FFC];
	_ =	sdelay $0x3  }
0x95: {  	_ =	strace s4  }
0x96: {  	s4 =	sld [smem:$0x3FFD];
	_ =	sdelay $0x3  }
0x97: {  	_ =	strace s4  }
0x98: {  	_ =	strace $0x8FFFFFFF  }
0x99: {  	s19 =	sld [smem:$0x3FDB];
	_ =	sdelay $0x1  }
0x9a: {  	s5 =	simm.s32 $_scs_section_size  }
0x9b: {  	s6 =	simm.s32 $_size__tile_overlayer_lowered;
	s7 =	simm.s32 $_tile_overlayer_lowered  }
0x9c: {  	s22 =	simm.s32 $0x1BFF;
	s21 =	sshll.u32 s7, $0x1;
	s4 =	sadd.s32 s5, s19  }
0x9d: {  	s8 =	simm.s32 $0x0;
	s20 =	sshll.u32 s6, $0x1;
	s6 =	sadd.s32 s21, s4  }
0x9e: {  	[timem:s8], [sflag:s22] =	dma.local [hbm:s6], s20  }
0x9f: {  	_ =	swait.ge [sflag:s22], s20  }
0xa0: {  	s5 =	ssub.s32 $0x0, s20;
	[sflag:s22] =	ssyncset.done $0x0  }
0xa1: {  	[sflag:s22] =	ssyncadd.s32 s5;
	_ =	sdelay $0x1  }
0xa2: {  	s23 =	simm.s32 $0x1B8B  }
0xa3: {  	_ =	swait.ge [sflag:s23], $0x1  }
0xa4: {  	[sflag:s23] =	ssyncset.done $0x0  }
0xa5: {  	s25 =	simm.s32 $0x1B8E;
	s24 =	sld [smem:$0x3FFE];
	[sflag:s23] =	ssyncadd.s32 $0xFFFFFFFF  }
0xa6: {  	s26 =	simm.s32 $execute0_lowered;
	[smem:$0x3FD2] =	sst s25  }
0xa7: {  	s6 =	sshll.u32 s26, $0x1;
	_ =	strace $0x80000046;
	[dreg:$0x1] =	wrdreg $0xFFFFFFFF  }
0xa8: {  	s28 =	simm.s32 $_size_execute0_lowered;
	s4 =	sadd.s32 s4, s6;
	[dreg:$0x0] =	wrdreg $0x0  }
0xa9: {  	s6 =	sshll.u32 s28, $0x1;
	[dreg:$0x2] =	wrdreg s4  }
0xaa: {  	[dreg:$0x3] =	wrdreg s6  }
0xab: {  	[dreg:$0x4] =	wrdreg $0xC0  }
0xac: {  	_ =	task [dreg:s8], $0x5FFFF  }
0xad: {  	[dreg:$0x1] =	wrdreg $0xFFFFFFFF  }
0xae: {  	[dreg:$0x0] =	wrdreg $0x60  }
0xaf: {  	[dreg:$0x2] =	wrdreg s2  }
0xb0: {  	[dreg:$0x3] =	wrdreg s24  }
0xb1: {  	[dreg:$0x4] =	wrdreg s18  }
0xb2: {  	[dreg:$0x5] =	wrdreg $0x0  }
0xb3: {  	[dreg:$0x6] =	wrdreg $0xB  }
0xb4: {  	_ =	task.clear_ibuf [dreg:s8], $0x7FFFF;
	_ =	strace $0x90000046  }
0xb5: {  	s29 =	simm.s32 $0xB;
	_ =	strace $0x80000048  }
0xb6: {  	_ =	swait.ge [sflag:s29], $0x1  }
0xb7: {  	[sflag:s29] =	ssyncadd.s32 $0xFFFFFFFF  }
0xb8: {  	_ =	strace $0x90000048  }
0xb9: {  	_ =	sfence  }
0xba: {  	s30 =	sld [smem:$0x0];
	_ =	sdelay $0x2  }
0xbb: {  	s31 =	sshll.u32 s1, $0xD;
	s1 =	sshrl.u32 s1, $0x2  }
0xbc: {  	s3 =	sand.u32 $0x4000, s31;
	s1 =	sadd.s32 s1, s30  }
0xbd: {  	s0 =	sor.u32 s3, s0;
	s1 =	sshll.u32 s1, $0x11  }
0xbe: {  	s0 =	sor.u32 s1, s0  }
0xbf: {  	s0 =	sadd.s32 $0x8F2B, s0  }
0xc0: {  	[sflag:s0] =	ssyncadd.remote.s32 $0x1  }
0xc1: {  	_ =	sfence.sel $0xFFFF  }
0xc2: {  	[dreg:$0x0] =	wrdreg $0xFFFFFFFF;
	(pc) =	sbr.abs _section_cstart, $3  }
0xc3: {  	[dreg:$0x1] =	wrdreg $0xFFFFFFFF  }
0xc4: {  	_ =	task.clear_ibuf [dreg:s8], $0x2FFFF;
	_ =	strace $0x9FFFFFFF  }
0xc5: {  	(tm) =	ssettm $0x7FFFFFFF  }
tec
execute0_lowered:
.L_overlay_start_1:
0x0: {  	(tag) =	ssettag $0x1  }
0x1: {  	s1 =	rddreg [dreg:$0x0]  }
0x2: {  	s5 =	rddreg [dreg:$0x1]  }
0x3: {  	s12 =	rddreg [dreg:$0x2]  }
0x4: {  	s3 =	rddreg [dreg:$0x3]  }
0x5: {  	s0 =	stileid.u32;
	s6 =	srdreg.scid;
	s4 =	simm.s32 $0x0  }
0x6: {  	s19 =	simm.s32 $0x28;
	s20 =	simm.s32 $0x14200;
	s21 =	simm.s32 $0x14080  }
0x7: {  	s22 =	simm.s32 $0x14180;
	s23 =	simm.s32 $0x15600;
	s7 =	smul.u32 $0x14000, s0  }
0x8: {  	s24 =	simm.s32 $0x1;
	s11 =	sand.u32 $0x1, s6;
	s9 =	smul.u32 $0x50000, s0  }
0x9: {  	[smem:$0x7FF] =	sst s4;
	s13 =	sadd.s32 $0x2200, s5;
	s17 =	smul.u32 $0xA, s0  }
0xa: {  	s25 =	sshll.u32 s0, $0x1;
	s30 =	sshll.u32 s0, $0x6;
	s6 =	smul.u32 $0x140000, s11  }
0xb: {  	_ =	strace $0x80000047;
	s26 =	ssub.s32 $0x2, s11;
	s28 =	sor.u32 s11, s25  }
0xc: {  	s31 =	smul.u32 $0x5, s11;
	s25 =	simm.s32 $0x2;
	s8 =	sshrl.u32 s7, $0x3  }
0xd: {  	s29 =	sshrl.u32 s26, $0x1;
	s9 =	sshrl.u32 s9, $0x2;
	s14 =	smul.u32 $0x5, s28  }
0xe: {  	s18 =	sadd.s32 s17, s12;
	s17 =	sadd.s32 s17, s13;
	s8 =	sadd.s32 s8, s5  }
0xf: {  	s6 =	sadd.s32 s7, s6;
	s15 =	ssub.s32 s26, s29;
	s16 =	sadd.s32 s9, s3  }
0x10: {  	s26 =	simm.s32 $0x0;
	s6 =	sshrl.u32 s6, $0x3;
	s7 =	sadd.s32 s13, s14  }
0x11: {  	s10 =	sadd.s32 s6, s5;
	s5 =	sadd.s32 $0xC000, s8;
	s6 =	sor.u32 $0x1C03, s30  }
0x12: {  	s8 =	sadd.s32 s12, s14;
	s14 =	sadd.s32 $0x9BA0, s14;
	s9 =	sadd.s32 $0x34000, s10  }
0x13: {  	s10 =	smax.u32 s15, $0x1;
	s11 =	sadd.s32 s13, s14;
	s12 =	sadd.s32 s12, s14  }
0x14: {  	s13 =	sadd.s32 s31, s18;
	s14 =	sadd.s32 s31, s17;
	s15 =	sshrl.u32 s16, $0x3  }
0x15: {  	s16 =	simm.s32 $0x3;
	s17 =	simm.s32 $0x14000;
	s18 =	simm.s32 $0x14100  }
.LBB2_1:
0x16: {  	[spmem:s15], [sflag:s6] =	dma.local [hbm:s5], $0x2800  }
0x17: {  	_ =	swait.ge [sflag:s16], $0x2800  }
0x18: {  	[sflag:s16] =	ssyncset.done $0x0  }
0x19: {  	[sflag:s16] =	ssyncadd.s32 $0xFFFFD800  }
0x1a: {  	[bflag:$0x0] =	sbarrier.arrive $0xFFFF  }
0x1b: {  	[tilespmem:s17], [sflag:$0x3] =	stream.linear.gather [hbm4b:s7+s4], $0x28, $0x38;
	[tilespmem:$0x16A00] =	vst v63  }
0x1c: {  	_ =	swait.ge [sflag:s16], $0x28  }
0x1d: {  	[sflag:s16] =	ssyncset.done $0x0  }
0x1e: {  	[sflag:s16] =	ssyncadd.s32 $0xFFFFFFD8  }
0x1f: {  	[tilespmem:s18], [sflag:$0x3] =	stream.linear.gather [hbm4b:s8+s4], $0x28, $0x38;
	[tilespmem:$0x16A00] =	vst v63  }
0x20: {  	_ =	swait.ge [sflag:s16], $0x28  }
0x21: {  	[sflag:s16] =	ssyncset.done $0x0  }
0x22: {  	s28 =	sadd.s32 $0x0, s14;
	[sflag:s16] =	ssyncadd.s32 $0xFFFFFFD8  }
0x23: {  	[tilespmem:s20], [sflag:$0x1] =	stream.indirect.gather [hbm4b:s1+s19], $0x80, s17, s19, $0xb8;
	[tilespmem:$0x16A00] =	vst v63  }
0x24: {  	s29 =	sadd.s32 $0xA0, s28  }
0x25: {  	[tilespmem:s21], [sflag:$0x3] =	stream.linear.gather [hbm4b:s29+s4], $0x28, $0x38;
	[tilespmem:$0x16A00] =	vst v63  }
0x26: {  	_ =	swait.ge [sflag:s16], $0x28  }
0x27: {  	s2 =	sadd.s32 $0x0, s13;
	[sflag:s16] =	ssyncset.done $0x0  }
0x28: {  	s30 =	sadd.s32 $0xA0, s2;
	[sflag:s16] =	ssyncadd.s32 $0xFFFFFFD8  }
0x29: {  	[tilespmem:s22], [sflag:$0x3] =	stream.linear.gather [hbm4b:s30+s4], $0x28, $0x38;
	[tilespmem:$0x16A00] =	vst v63  }
0x2a: {  	_ =	swait.ge [sflag:s16], $0x28  }
0x2b: {  	[sflag:s16] =	ssyncset.done $0x0  }
0x2c: {  	[sflag:s16] =	ssyncadd.s32 $0xFFFFFFD8  }
0x2d: {  	[tilespmem:s23], [sflag:$0x2] =	stream.indirect.gather [hbm4b:s1+s19], $0x80, s21, s19, $0xb8;
	[tilespmem:$0x16A00] =	vst v63  }
0x2e: {  	_ =	swait.ge [sflag:s24], $0x1400  }
0x2f: {  	[sflag:s24] =	ssyncset.done $0x0  }
0x30: {  	[sflag:s24] =	ssyncadd.s32 $0xFFFFEC00  }
0x31: {  	[spmem:s3] =	stream.indirect.scatter.add.f32 [tilespmem:s20], [sflag:$0x3], $0x80, s18, s19, $0xb8;
	[tilespmem:$0x16A00] =	vst v63  }
0x32: {  	_ =	swait.ge [sflag:s16], $0x1400  }
0x33: {  	[sflag:s16] =	ssyncset.done $0x0  }
0x34: {  	s28 =	sadd.s32 $0x140, s28;
	[sflag:s16] =	ssyncadd.s32 $0xFFFFEC00  }
0x35: {  	[tilespmem:s17], [sflag:$0x3] =	stream.linear.gather [hbm4b:s28+s4], $0x28, $0x38;
	[tilespmem:$0x16A00] =	vst v63  }
0x36: {  	_ =	swait.ge [sflag:s16], $0x28  }
0x37: {  	[sflag:s16] =	ssyncset.done $0x0  }
0x38: {  	s28 =	sadd.s32 $0x140, s2;
	[sflag:s16] =	ssyncadd.s32 $0xFFFFFFD8  }
0x39: {  	[tilespmem:s18], [sflag:$0x3] =	stream.linear.gather [hbm4b:s28+s4], $0x28, $0x38;
	[tilespmem:$0x16A00] =	vst v63  }
0x3a: {  	_ =	swait.ge [sflag:s16], $0x28  }
0x3b: {  	[sflag:s16] =	ssyncset.done $0x0  }
0x3c: {  	[sflag:s16] =	ssyncadd.s32 $0xFFFFFFD8  }
0x3d: {  	[tilespmem:s20], [sflag:$0x1] =	stream.indirect.gather [hbm4b:s1+s19], $0x80, s17, s19, $0xb8;
	[tilespmem:$0x16A00] =	vst v63  }
0x3e: {  	_ =	swait.ge [sflag:s25], $0x1400  }
0x3f: {  	[sflag:s25] =	ssyncset.done $0x0  }
0x40: {  	[sflag:s25] =	ssyncadd.s32 $0xFFFFEC00  }
0x41: {  	[spmem:s3] =	stream.indirect.scatter.add.f32 [tilespmem:s23], [sflag:$0x3], $0x80, s22, s19, $0xb8;
	[tilespmem:$0x16A00] =	vst v63  }
0x42: {  	s31 =	simm.s32 $0x280;
	_ =	swait.ge [sflag:s16], $0x1400  }
0x43: {  	s30 =	sadd.s32 $0x140, s14;
	s28 =	simm.s32 $0x140;
	[sflag:s16] =	ssyncset.done $0x0  }
.LBB2_2:
0x44: {  	s0 =	sadd.s32 $0xA0, s30  }
0x45: {  	[sflag:s16] =	ssyncadd.s32 $0xFFFFEC00;
	s2 =	smov.u32 s31;
	s29 =	sadd.s32 $0x140, s31  }
0x46: {  	[tilespmem:s21], [sflag:$0x3] =	stream.linear.gather [hbm4b:s0+s4], $0x28, $0x38;
	[tilespmem:$0x16A00] =	vst v63  }
0x47: {  	p0 =	sne.s32 s31, $0x99C0;
	_ =	swait.ge [sflag:s16], $0x28  }
0x48: {  	s0 =	sadd.s32 s28, s13;
	s28 =	smov.u32 s2;
	[sflag:s16] =	ssyncset.done $0x0  }
0x49: {  	s2 =	sadd.s32 $0xA0, s0;
	[sflag:s16] =	ssyncadd.s32 $0xFFFFFFD8  }
0x4a: {  	[tilespmem:s22], [sflag:$0x3] =	stream.linear.gather [hbm4b:s2+s4], $0x28, $0x38;
	[tilespmem:$0x16A00] =	vst v63  }
0x4b: {  	_ =	swait.ge [sflag:s16], $0x28  }
0x4c: {  	[sflag:s16] =	ssyncset.done $0x0  }
0x4d: {  	[sflag:s16] =	ssyncadd.s32 $0xFFFFFFD8  }
0x4e: {  	[tilespmem:s23], [sflag:$0x2] =	stream.indirect.gather [hbm4b:s1+s19], $0x80, s21, s19, $0xb8;
	[tilespmem:$0x16A00] =	vst v63  }
0x4f: {  	_ =	swait.ge [sflag:s24], $0x1400  }
0x50: {  	[sflag:s24] =	ssyncset.done $0x0  }
0x51: {  	[sflag:s24] =	ssyncadd.s32 $0xFFFFEC00  }
0x52: {  	[spmem:s3] =	stream.indirect.scatter.add.f32 [tilespmem:s20], [sflag:$0x3], $0x80, s18, s19, $0xb8;
	[tilespmem:$0x16A00] =	vst v63  }
0x53: {  	_ =	swait.ge [sflag:s16], $0x1400  }
0x54: {  	[sflag:s16] =	ssyncset.done $0x0  }
0x55: {  	s2 =	sadd.s32 $0x140, s30;
	[sflag:s16] =	ssyncadd.s32 $0xFFFFEC00  }
0x56: {  	[tilespmem:s17], [sflag:$0x3] =	stream.linear.gather [hbm4b:s2+s4], $0x28, $0x38;
	[tilespmem:$0x16A00] =	vst v63  }
0x57: {  	_ =	swait.ge [sflag:s16], $0x28  }
0x58: {  	[sflag:s16] =	ssyncset.done $0x0  }
0x59: {  	s0 =	sadd.s32 $0x140, s0;
	[sflag:s16] =	ssyncadd.s32 $0xFFFFFFD8  }
0x5a: {  	[tilespmem:s18], [sflag:$0x3] =	stream.linear.gather [hbm4b:s0+s4], $0x28, $0x38;
	[tilespmem:$0x16A00] =	vst v63  }
0x5b: {  	_ =	swait.ge [sflag:s16], $0x28  }
0x5c: {  	[sflag:s16] =	ssyncset.done $0x0  }
0x5d: {  	[sflag:s16] =	ssyncadd.s32 $0xFFFFFFD8  }
0x5e: {  	[tilespmem:s20], [sflag:$0x1] =	stream.indirect.gather [hbm4b:s1+s19], $0x80, s17, s19, $0xb8;
	[tilespmem:$0x16A00] =	vst v63  }
0x5f: {  	_ =	swait.ge [sflag:s25], $0x1400  }
.Ltmp0:
0x60: {  	[sflag:s25] =	ssyncset.done $0x0;
	(pc) =	sbr.rel @p0 .LBB2_2-.Ltmp0, $4  }
0x61: {  	[sflag:s25] =	ssyncadd.s32 $0xFFFFEC00  }
0x62: {  	[spmem:s3] =	stream.indirect.scatter.add.f32 [tilespmem:s23], [sflag:$0x3], $0x80, s22, s19, $0xb8;
	[tilespmem:$0x16A00] =	vst v63  }
0x63: {  	_ =	swait.ge [sflag:s16], $0x1400  }
0x64: {  	s31 =	smov.u32 s29;
	s30 =	sadd.s32 s28, s14;
	[sflag:s16] =	ssyncset.done $0x0  }
0x65: {  	s0 =	sadd.s32 $0xA0, s30;
	[sflag:s16] =	ssyncadd.s32 $0xFFFFEC00  }
0x66: {  	[tilespmem:s21], [sflag:$0x3] =	stream.linear.gather [hbm4b:s0+s4], $0x28, $0x38;
	[tilespmem:$0x16A00] =	vst v63  }
0x67: {  	_ =	swait.ge [sflag:s16], $0x28  }
0x68: {  	s29 =	sadd.s32 s28, s13;
	[sflag:s16] =	ssyncset.done $0x0  }
0x69: {  	s2 =	sadd.s32 $0xA0, s29;
	[sflag:s16] =	ssyncadd.s32 $0xFFFFFFD8  }
0x6a: {  	[tilespmem:s22], [sflag:$0x3] =	stream.linear.gather [hbm4b:s2+s4], $0x28, $0x38;
	[tilespmem:$0x16A00] =	vst v63  }
0x6b: {  	_ =	swait.ge [sflag:s16], $0x28  }
0x6c: {  	[sflag:s16] =	ssyncset.done $0x0  }
0x6d: {  	[sflag:s16] =	ssyncadd.s32 $0xFFFFFFD8  }
0x6e: {  	[tilespmem:s23], [sflag:$0x2] =	stream.indirect.gather [hbm4b:s1+s19], $0x80, s21, s19, $0xb8;
	[tilespmem:$0x16A00] =	vst v63  }
0x6f: {  	_ =	swait.ge [sflag:s24], $0x1400  }
0x70: {  	[sflag:s24] =	ssyncset.done $0x0  }
0x71: {  	[sflag:s24] =	ssyncadd.s32 $0xFFFFEC00  }
0x72: {  	[spmem:s3] =	stream.indirect.scatter.add.f32 [tilespmem:s20], [sflag:$0x3], $0x80, s18, s19, $0xb8;
	[tilespmem:$0x16A00] =	vst v63  }
0x73: {  	_ =	swait.ge [sflag:s16], $0x1400  }
0x74: {  	[sflag:s16] =	ssyncset.done $0x0  }
0x75: {  	s31 =	sadd.s32 $0x140, s30;
	[sflag:s16] =	ssyncadd.s32 $0xFFFFEC00  }
0x76: {  	[tilespmem:s17], [sflag:$0x3] =	stream.linear.gather [hbm4b:s31+s4], $0x28, $0x38;
	[tilespmem:$0x16A00] =	vst v63  }
0x77: {  	_ =	swait.ge [sflag:s16], $0x28  }
0x78: {  	[sflag:s16] =	ssyncset.done $0x0  }
0x79: {  	s0 =	sadd.s32 $0x140, s29;
	[sflag:s16] =	ssyncadd.s32 $0xFFFFFFD8  }
0x7a: {  	[tilespmem:s18], [sflag:$0x3] =	stream.linear.gather [hbm4b:s0+s4], $0x28, $0x38;
	[tilespmem:$0x16A00] =	vst v63  }
0x7b: {  	_ =	swait.ge [sflag:s16], $0x28  }
0x7c: {  	[sflag:s16] =	ssyncset.done $0x0  }
0x7d: {  	[sflag:s16] =	ssyncadd.s32 $0xFFFFFFD8  }
0x7e: {  	[tilespmem:s20], [sflag:$0x1] =	stream.indirect.gather [hbm4b:s1+s19], $0x80, s17, s19, $0xb8;
	[tilespmem:$0x16A00] =	vst v63  }
0x7f: {  	_ =	swait.ge [sflag:s25], $0x1400  }
0x80: {  	[sflag:s25] =	ssyncset.done $0x0  }
0x81: {  	[sflag:s25] =	ssyncadd.s32 $0xFFFFEC00  }
0x82: {  	[spmem:s3] =	stream.indirect.scatter.add.f32 [tilespmem:s23], [sflag:$0x3], $0x80, s22, s19, $0xb8;
	[tilespmem:$0x16A00] =	vst v63  }
0x83: {  	_ =	swait.ge [sflag:s16], $0x1400  }
0x84: {  	[sflag:s16] =	ssyncset.done $0x0  }
0x85: {  	[sflag:s16] =	ssyncadd.s32 $0xFFFFEC00  }
0x86: {  	[tilespmem:s21], [sflag:$0x3] =	stream.linear.gather [hbm4b:s11+s4], $0x28, $0x38;
	[tilespmem:$0x16A00] =	vst v63  }
0x87: {  	_ =	swait.ge [sflag:s16], $0x28  }
0x88: {  	[sflag:s16] =	ssyncset.done $0x0  }
0x89: {  	[sflag:s16] =	ssyncadd.s32 $0xFFFFFFD8  }
0x8a: {  	[tilespmem:s22], [sflag:$0x3] =	stream.linear.gather [hbm4b:s12+s4], $0x28, $0x38;
	[tilespmem:$0x16A00] =	vst v63  }
0x8b: {  	_ =	swait.ge [sflag:s16], $0x28  }
0x8c: {  	[sflag:s16] =	ssyncset.done $0x0  }
0x8d: {  	[sflag:s16] =	ssyncadd.s32 $0xFFFFFFD8  }
0x8e: {  	[tilespmem:s23], [sflag:$0x2] =	stream.indirect.gather [hbm4b:s1+s19], $0x80, s21, s19, $0xb8;
	[tilespmem:$0x16A00] =	vst v63  }
0x8f: {  	_ =	swait.ge [sflag:s24], $0x1400  }
0x90: {  	[sflag:s24] =	ssyncset.done $0x0  }
0x91: {  	[sflag:s24] =	ssyncadd.s32 $0xFFFFEC00  }
0x92: {  	[spmem:s3] =	stream.indirect.scatter.add.f32 [tilespmem:s20], [sflag:$0x3], $0x80, s18, s19, $0xb8;
	[tilespmem:$0x16A00] =	vst v63  }
0x93: {  	_ =	swait.ge [sflag:s16], $0x1400  }
0x94: {  	[sflag:s16] =	ssyncset.done $0x0  }
0x95: {  	[sflag:s16] =	ssyncadd.s32 $0xFFFFEC00  }
0x96: {  	_ =	swait.ge [sflag:s25], $0x1400  }
0x97: {  	[sflag:s25] =	ssyncset.done $0x0  }
0x98: {  	[sflag:s25] =	ssyncadd.s32 $0xFFFFEC00  }
0x99: {  	[spmem:s3] =	stream.indirect.scatter.add.f32 [tilespmem:s23], [sflag:$0x3], $0x80, s22, s19, $0xb8;
	[tilespmem:$0x16A00] =	vst v63  }
0x9a: {  	_ =	swait.ge [sflag:s16], $0x1400  }
0x9b: {  	s26 =	sadd.s32 $0x1, s26;
	[sflag:s16] =	ssyncset.done $0x0  }
0x9c: {  	p0 =	sne.s32 s26, s10;
	[sflag:s16] =	ssyncadd.s32 $0xFFFFEC00  }
.Ltmp1:
0x9d: {  	[bflag:$0x0] =	sbarrier.arrive $0xFFFF;
	(pc) =	sbr.rel @p0 .LBB2_1-.Ltmp1, $4  }
0x9e: {  	[hbm:s9], [sflag:s6] =	dma.local [spmem:s15], $0x2800  }
0x9f: {  	_ =	swait.ge [sflag:s16], $0x2800  }
0xa0: {  	[sflag:s16] =	ssyncset.done $0x0  }
0xa1: {  	[sflag:s16] =	ssyncadd.s32 $0xFFFFD800  }
0xa2: {  	_ =	sfence.sel $0x180000  }
0xa3: {  	[bflag:$0x0] =	sbarrier.arrive $0xFFFF  }
0xa4: {  	_ =	strace $0x90000047  }
0xa5: {  	s0 =	stileid.u32;
	[bflag:$0x2] =	sbarrier.arrive $0xFFFF  }
0xa6: {  	p0 =	sne.s32 s0, $0x0;
	s0 =	rddreg [dreg:$0x4]  }
0xa7: {  	s0 =	sadd.s32 @!p0 $0x100000, s0  }
0xa8: {  	[sflag:s0] =	ssyncadd.tile.s32 @!p0 $0x1;
	_ =	shalt  }
.Lfunc_end2:
_tile_overlayer_lowered:
.L_overlay_start_2:
0xa9: {  	(tag) =	ssettag $0x2  }
0xaa: {  	s0 =	rddreg [dreg:$0x0];
	s2 =	stileid.u32  }
0xab: {  	s1 =	rddreg [dreg:$0x1];
	p0 =	sne.s32 s2, $0x0  }
0xac: {  	s3 =	rddreg [dreg:$0x2];
	[bflag:$0x3] =	sbarrier.arrive $0xFFFF;
	s2 =	simm.s32 @!p0 $0x1C03  }
0xad: {  	[timem:s3], [sflag:s2] =	dma.local @!p0 [hbm:s0], s1  }
0xae: {  	s0 =	simm.s32 @!p0 $0x3  }
0xaf: {  	_ =	swait.ge @!p0 [sflag:s0], s1  }
0xb0: {  	s1 =	ssub.s32 @!p0 $0x0, s1;
	[sflag:s0] =	ssyncset.done @!p0 $0x0  }
0xb1: {  	[sflag:s0] =	ssyncadd.s32 @!p0 s1  }
0xb2: {  	[bflag:$0x3] =	sbarrier.arrive $0xFFFF  }
0xb3: {  	_ =	shalt  }

// kernel: kernel.17.cloned.1.call-start
scs
__scs_entry_jumppad:
0x0: {  	(pc) =	sbr.rel $0x88, $3  }
0x1: {  	(tag) =	ssettag $0x0;
	lr =	simm.s32 $0x1  }
0x2: {  	[smem:$0x3F98] =	sst lr;
	_ =	strace $0xD0000000  }
0x3: {  	_ = 	snop  }
0x4: {  	_ = 	snop  }
0x5: {  	_ = 	snop  }
0x6: {  	_ = 	snop  }
0x7: {  	_ = 	snop  }
__scs_overlays_trampoline_lowered:
0x8: {  	[smem:$0x3FA7] =	sst s0  }
0x9: {  	[smem:$0x3FA8] =	sst s1  }
0xa: {  	[smem:$0x3FA9] =	sst s2  }
0xb: {  	[smem:$0x3FAA] =	sst s3  }
0xc: {  	[smem:$0x3FAB] =	sst s4  }
0xd: {  	[smem:$0x3FAC] =	sst s5  }
0xe: {  	[smem:$0x3FAD] =	sst s6  }
0xf: {  	[smem:$0x3FAE] =	sst s7  }
0x10: {  	[smem:$0x3FAF] =	sst s8  }
0x11: {  	[smem:$0x3FB0] =	sst s9;
	s0 =	simm.s32 @!p0 $0x0  }
0x12: {  	s1 =	sld [smem:$0x3F96];
	s0 =	simm.s32 @p0 $0x1  }
0x13: {  	[smem:$0x3FB1] =	sst s0;
	s0 =	simm.s32 @!p1 $0x0  }
0x14: {  	s2 =	sld [smem:$0x3F95];
	s0 =	simm.s32 @p1 $0x1  }
0x15: {  	[smem:$0x3FB2] =	sst s0;
	s0 =	simm.s32 @!p2 $0x0  }
0x16: {  	s3 =	sld [smem:$0x3FDB];
	s0 =	simm.s32 @p2 $0x1  }
0x17: {  	s4 =	simm.s32 $0x1BF5;
	[smem:$0x3FB4] =	sst s0  }
0x18: {  	s0 =	sld [smem:$0x3F97];
	_ =	swait.ge [sflag:s4], $0x0  }
0x19: {  	s7 =	sld [smem:$0x3F98]  }
0x1a: {  	s8 =	sadd.s32 $0xFFFFE003, lr  }
0x1b: {  	s9 =	sadd.s32 $0xFFFFFEF7, lr;
	s5 =	simm.s32 $0xFFFFFFFF;
	p2 =	slt.u32 s8, $0xFFFFF086  }
0x1c: {  	p1 =	slt.u32 s9, $0xF7A;
	s5 =	simm.s32 @!p2 $0x0  }
0x1d: {  	s5 =	simm.s32 @p1 $0x1;
	p0 =	seq.s32 s7, s2  }
0x1e: {  	s7 =	smul.u32 @!p0 $0xF7A, s2;
	p2 =	seq.s32 @!p0 s5, $0x0  }
0x1f: {  	s9 =	smul.u32 $0xF7A, s1;
	s8 =	simm.s32 @!p0 $0x1BF5;
	p2 =	por !p2, p0  }
0x20: {  	[sflag:s8] =	ssyncset.s32 @!p0 $0xFFFFF086;
	s6 =	sadd.s32 @!p0 s3, s7;
	s7 =	simm.s32 @!p0 $0x108  }
0x21: {  	s3 =	sadd.s32 s3, s9;
	s6 =	sadd.s32 @!p0 $0x88, s6;
	s7 =	simm.s32 @p2 $0x1082  }
0x22: {  	[simem:s7], [sflag:s8] =	dma.local @!p0 [hbm:s6], $0xF7A  }
0x23: {  	s9 =	sor.u32 $0xD0000000, s2;
	s6 =	simm.s32 $0x108;
	_ =	swait.ge @!p0 [sflag:s8], $0x0  }
0x24: {  	s3 =	sadd.s32 $0x88, s3;
	s6 =	simm.s32 @!p1 $0x1082;
	[sflag:s4] =	ssyncset.s32 $0xFFFFF086  }
0x25: {  	[simem:s6], [sflag:s4] =	dma.local [hbm:s3], $0xF7A  }
0x26: {  	[smem:$0x3F98] =	sst s1;
	(tag) =	ssettag s2;
	_ =	strace s9  }
0x27: {  	s1 =	sld [smem:$0x3FA8]  }
0x28: {  	s2 =	sld [smem:$0x3FA9]  }
0x29: {  	s4 =	sld [smem:$0x3FAB]  }
0x2a: {  	p0 =	seq.s32 s5, $0x0;
	s5 =	sld [smem:$0x3FAC]  }
0x2b: {  	s6 =	sld [smem:$0x3FAD]  }
0x2c: {  	s7 =	sld [smem:$0x3FAE]  }
0x2d: {  	s3 =	simm.s32 $0x108;
	s8 =	sld [smem:$0x3FAF]  }
0x2e: {  	s3 =	simm.s32 @!p0 $0x1082;
	s9 =	sld [smem:$0x3FB0]  }
0x2f: {  	lr =	sadd.s32 s0, s3;
	s0 =	sld [smem:$0x3FA7]  }
0x30: {  	s3 =	sld [smem:$0x3FAA]  }
0x31: {  	[smem:$0x3FB3] =	sst s10  }
0x32: {  	s10 =	sld [smem:$0x3FB1];
	_ =	sdelay $0x3  }
0x33: {  	p0 =	seq.s32 s10, $0x1;
	s10 =	sld [smem:$0x3FB3];
	_ =	sdelay $0x3  }
0x34: {  	[smem:$0x3FB3] =	sst s10  }
0x35: {  	s10 =	sld [smem:$0x3FB2];
	_ =	sdelay $0x3  }
0x36: {  	p1 =	seq.s32 s10, $0x1;
	s10 =	sld [smem:$0x3FB3];
	_ =	sdelay $0x3  }
0x37: {  	[smem:$0x3FB3] =	sst s10  }
0x38: {  	s10 =	sld [smem:$0x3FB4]  }
0x39: {  	_ = 	snop;
	(pc) =	sbr.ind lr, $3  }
0x3a: {  	_ = 	snop  }
0x3b: {  	_ = 	snop  }
0x3c: {  	p2 =	seq.s32 s10, $0x1;
	s10 =	sld [smem:$0x3FB3]  }
0x3d: {  	_ =	shalt  }
0x3e: {  	_ =	shalt  }
0x3f: {  	_ =	shalt  }
0x40: {  	_ =	shalt  }
0x41: {  	_ =	shalt  }
0x42: {  	_ =	shalt  }
0x43: {  	_ =	shalt  }
0x44: {  	_ =	shalt  }
0x45: {  	_ =	shalt  }
0x46: {  	_ =	shalt  }
0x47: {  	_ =	shalt  }
0x48: {  	_ =	shalt  }
0x49: {  	_ =	shalt  }
0x4a: {  	_ =	shalt  }
0x4b: {  	_ =	shalt  }
0x4c: {  	_ =	shalt  }
0x4d: {  	_ =	shalt  }
0x4e: {  	_ =	shalt  }
0x4f: {  	_ =	shalt  }
0x50: {  	_ =	shalt  }
0x51: {  	_ =	shalt  }
0x52: {  	_ =	shalt  }
0x53: {  	_ =	shalt  }
0x54: {  	_ =	shalt  }
0x55: {  	_ =	shalt  }
0x56: {  	_ =	shalt  }
0x57: {  	_ =	shalt  }
0x58: {  	_ =	shalt  }
0x59: {  	_ =	shalt  }
0x5a: {  	_ =	shalt  }
0x5b: {  	_ =	shalt  }
0x5c: {  	_ =	shalt  }
0x5d: {  	_ =	shalt  }
0x5e: {  	_ =	shalt  }
0x5f: {  	_ =	shalt  }
0x60: {  	_ =	shalt  }
0x61: {  	_ =	shalt  }
0x62: {  	_ =	shalt  }
0x63: {  	_ =	shalt  }
0x64: {  	_ =	shalt  }
0x65: {  	_ =	shalt  }
0x66: {  	_ =	shalt  }
0x67: {  	_ =	shalt  }
0x68: {  	_ =	shalt  }
0x69: {  	_ =	shalt  }
0x6a: {  	_ =	shalt  }
0x6b: {  	_ =	shalt  }
0x6c: {  	_ =	shalt  }
0x6d: {  	_ =	shalt  }
0x6e: {  	_ =	shalt  }
0x6f: {  	_ =	shalt  }
0x70: {  	_ =	shalt  }
0x71: {  	_ =	shalt  }
0x72: {  	_ =	shalt  }
0x73: {  	_ =	shalt  }
0x74: {  	_ =	shalt  }
0x75: {  	_ =	shalt  }
0x76: {  	_ =	shalt  }
0x77: {  	_ =	shalt  }
0x78: {  	_ =	shalt  }
0x79: {  	_ =	shalt  }
0x7a: {  	_ =	shalt  }
0x7b: {  	_ =	shalt  }
0x7c: {  	_ =	shalt  }
0x7d: {  	_ =	shalt  }
0x7e: {  	_ =	shalt  }
0x7f: {  	_ =	shalt  }
0x80: {  	_ =	shalt  }
0x81: {  	_ =	shalt  }
0x82: {  	_ =	shalt  }
0x83: {  	_ =	shalt  }
0x84: {  	_ =	shalt  }
0x85: {  	_ =	shalt  }
0x86: {  	_ =	shalt  }
0x87: {  	_ =	shalt  }
.Lfunc_end0:
.L_simem_size_0:
called_computation.3_lowered:
.L_overlay_start_0:
0x88: {  	s2 =	sld [smem:$0x3FD9]  }
0x89: {  	s3 =	sld [smem:$0x3FFE];
	_ =	sdelay $0x1  }
0x8a: {  	s1 =	srdreg.scid  }
0x8b: {  	s0 =	sand.u32 $0x1, s1  }
0x8c: {  	s17 =	sshll.u32 s0, $0xA;
	s2 =	sadd.s32 s3, s2  }
0x8d: {  	s2 =	sadd.s32 s2, s17  }
0x8e: {  	[smem:$0x3FBF] =	sst s2  }
0x8f: {  	_ = 	snop  }
0x90: {  	s18 =	sld [smem:$0x3FD0];
	(tm) =	ssettm $0x1  }
0x91: {  	s19 =	sld [smem:$0x3FFB];
	_ =	sdelay $0x3  }
0x92: {  	_ =	strace s19  }
0x93: {  	s2 =	sld [smem:$0x3FFC];
	_ =	sdelay $0x3  }
0x94: {  	_ =	strace s2  }
0x95: {  	s2 =	sld [smem:$0x3FFD];
	_ =	sdelay $0x3  }
0x96: {  	_ =	strace s2  }
0x97: {  	_ =	strace $0x8FFFFFFF  }
0x98: {  	s20 =	sld [smem:$0x3FDB];
	_ =	sdelay $0x1  }
0x99: {  	s4 =	simm.s32 $_scs_section_size  }
0x9a: {  	s5 =	simm.s32 $_size__tile_overlayer_lowered;
	s6 =	simm.s32 $_tile_overlayer_lowered  }
0x9b: {  	s7 =	simm.s32 $0x1BFF;
	s21 =	sshll.u32 s6, $0x1;
	s4 =	sadd.s32 s4, s20  }
0x9c: {  	s22 =	simm.s32 $0x0;
	s5 =	sshll.u32 s5, $0x1;
	s6 =	sadd.s32 s21, s4  }
0x9d: {  	[timem:s22], [sflag:s7] =	dma.local [hbm:s6], s5  }
0x9e: {  	_ =	swait.ge [sflag:s7], s5  }
0x9f: {  	s5 =	ssub.s32 $0x0, s5;
	[sflag:s7] =	ssyncset.done $0x0  }
0xa0: {  	[sflag:s7] =	ssyncadd.s32 s5;
	_ =	sdelay $0x1  }
0xa1: {  	s23 =	simm.s32 $0x1B8B  }
0xa2: {  	_ =	swait.ge [sflag:s23], $0x1  }
0xa3: {  	[sflag:s23] =	ssyncset.done $0x0  }
0xa4: {  	[sflag:s23] =	ssyncadd.s32 $0xFFFFFFFF  }
0xa5: {  	s5 =	sld [smem:$0x0]  }
0xa6: {  	s6 =	sand.u32 $0xFFFFFFFE, s1  }
0xa7: {  	p0 =	sne.s32 s1, s6  }
0xa8: {  	s6 =	sshll.u32 @p0 s6, $0xE  }
0xa9: {  	s6 =	sadd.s32 @p0 $0x11B8D, s6;
	s7 =	sshll.u32 @p0 s5, $0x11  }
0xaa: {  	s6 =	sor.u32 @p0 s7, s6  }
0xab: {  	[sflag:s6] =	ssyncadd.remote.s32 @p0 $0x1;
	_ =	sdelay $0x1  }
0xac: {  	s6 =	simm.s32 @p0 $0x1B8D  }
0xad: {  	_ =	swait.eq @p0 [sflag:s6], $0x1  }
0xae: {  	[sflag:s6] =	ssyncadd.s32 @p0 $0xFFFFFFFF  }
0xaf: {  	s7 =	sshll.u32 @!p0 s1, $0xE  }
0xb0: {  	s7 =	sor.u32 @!p0 $0x4000, s7;
	s6 =	simm.s32 @!p0 $0x1B8D  }
0xb1: {  	s5 =	sshll.u32 @!p0 s5, $0x11;
	s7 =	sadd.s32 @!p0 $0x11B8D, s7;
	_ =	swait.eq @!p0 [sflag:s6], $0x1  }
0xb2: {  	s5 =	sor.u32 @!p0 s5, s7;
	[sflag:s6] =	ssyncadd.s32 @!p0 $0xFFFFFFFF  }
0xb3: {  	s25 =	simm.s32 $0x1B8E;
	s24 =	sld [smem:$0x3FFE];
	[sflag:s5] =	ssyncadd.remote.s32 @!p0 $0x1  }
0xb4: {  	s26 =	simm.s32 $execute0_lowered;
	[smem:$0x3FD2] =	sst s25  }
0xb5: {  	s6 =	sshll.u32 s26, $0x1;
	_ =	strace $0x8000004F;
	[dreg:$0x1] =	wrdreg $0xFFFFFFFF  }
0xb6: {  	s28 =	simm.s32 $_size_execute0_lowered;
	s4 =	sadd.s32 s4, s6;
	[dreg:$0x0] =	wrdreg $0x0  }
0xb7: {  	s6 =	sshll.u32 s28, $0x1;
	[dreg:$0x2] =	wrdreg s4  }
0xb8: {  	[dreg:$0x3] =	wrdreg s6  }
0xb9: {  	[dreg:$0x4] =	wrdreg $0xC0  }
0xba: {  	_ =	task [dreg:s22], $0x5FFFF  }
0xbb: {  	[dreg:$0x1] =	wrdreg $0xFFFFFFFF  }
0xbc: {  	[dreg:$0x0] =	wrdreg $0x60  }
0xbd: {  	[dreg:$0x2] =	wrdreg s18  }
0xbe: {  	[dreg:$0x3] =	wrdreg s24  }
0xbf: {  	[dreg:$0x4] =	wrdreg $0x0  }
0xc0: {  	[dreg:$0x5] =	wrdreg $0xA  }
0xc1: {  	_ =	task.clear_ibuf [dreg:s22], $0x6FFFF;
	_ =	strace $0x9000004F  }
0xc2: {  	s29 =	simm.s32 $0xA;
	_ =	strace $0x80000051  }
0xc3: {  	_ =	swait.ge [sflag:s29], $0x1  }
0xc4: {  	[sflag:s29] =	ssyncadd.s32 $0xFFFFFFFF  }
0xc5: {  	_ =	strace $0x90000051  }
0xc6: {  	_ =	sfence  }
0xc7: {  	s30 =	sld [smem:$0x0];
	_ =	sdelay $0x2  }
0xc8: {  	s31 =	sshll.u32 s1, $0xD;
	s1 =	sshrl.u32 s1, $0x2  }
0xc9: {  	s4 =	sand.u32 $0x4000, s31;
	s1 =	sadd.s32 s1, s30  }
0xca: {  	s0 =	sor.u32 s4, s0;
	s1 =	sshll.u32 s1, $0x11  }
0xcb: {  	s0 =	sor.u32 s1, s0  }
0xcc: {  	s0 =	sadd.s32 $0x8F2B, s0  }
0xcd: {  	[sflag:s0] =	ssyncadd.remote.s32 $0x1  }
0xce: {  	_ =	sfence.sel $0xFFFF  }
0xcf: {  	[dreg:$0x0] =	wrdreg $0xFFFFFFFF;
	(pc) =	sbr.abs _section_cstart, $3  }
0xd0: {  	[dreg:$0x1] =	wrdreg $0xFFFFFFFF  }
0xd1: {  	_ =	task.clear_ibuf [dreg:s22], $0x2FFFF;
	_ =	strace $0x9FFFFFFF  }
0xd2: {  	(tm) =	ssettm $0x7FFFFFFF  }
0xd3: {  	_ =	shalt  }
tec
execute0_lowered:
.L_overlay_start_1:
0x0: {  	(tag) =	ssettag $0x1  }
0x1: {  	s2 =	rddreg [dreg:$0x0]  }
0x2: {  	s5 =	rddreg [dreg:$0x1]  }
0x3: {  	s3 =	rddreg [dreg:$0x2];
	s0 =	stileid.u32  }
0x4: {  	s6 =	srdreg.scid;
	s4 =	simm.s32 $0x0;
	s19 =	simm.s32 $0x28  }
0x5: {  	s20 =	simm.s32 $0x14200;
	s21 =	simm.s32 $0x14080;
	s22 =	simm.s32 $0x14180  }
0x6: {  	s23 =	simm.s32 $0x15600;
	s24 =	simm.s32 $0x1;
	s7 =	smul.u32 $0x14000, s0  }
0x7: {  	s11 =	sand.u32 $0x1, s6;
	[smem:$0x7FF] =	sst s4;
	s9 =	smul.u32 $0x50000, s0  }
0x8: {  	s12 =	sadd.s32 $0xDDE00, s5;
	s13 =	sadd.s32 $0xD4000, s5;
	s17 =	smul.u32 $0xA, s0  }
0x9: {  	s25 =	sshll.u32 s0, $0x1;
	s30 =	sshll.u32 s0, $0x6;
	s6 =	smul.u32 $0x140000, s11  }
0xa: {  	_ =	strace $0x80000050;
	s26 =	ssub.s32 $0x2, s11;
	s28 =	sor.u32 s11, s25  }
0xb: {  	s31 =	smul.u32 $0x5, s11;
	s25 =	simm.s32 $0x2;
	s8 =	sshrl.u32 s7, $0x3  }
0xc: {  	s29 =	sshrl.u32 s26, $0x1;
	s9 =	sshrl.u32 s9, $0x2;
	s14 =	smul.u32 $0x5, s28  }
0xd: {  	s18 =	sadd.s32 s17, s13;
	s17 =	sadd.s32 s17, s12;
	s8 =	sadd.s32 s8, s5  }
0xe: {  	s6 =	sadd.s32 s7, s6;
	s15 =	ssub.s32 s26, s29;
	s16 =	sadd.s32 s9, s3  }
0xf: {  	s26 =	simm.s32 $0x0;
	s6 =	sshrl.u32 s6, $0x3;
	s7 =	sadd.s32 s12, s14  }
0x10: {  	s10 =	sadd.s32 s6, s5;
	s5 =	sadd.s32 $0xC000, s8;
	s6 =	sor.u32 $0x1C03, s30  }
0x11: {  	s8 =	sadd.s32 s13, s14;
	s14 =	sadd.s32 $0x9BA0, s14;
	s9 =	sadd.s32 $0x34000, s10  }
0x12: {  	s10 =	smax.u32 s15, $0x1;
	s11 =	sadd.s32 s12, s14;
	s12 =	sadd.s32 s13, s14  }
0x13: {  	s13 =	sadd.s32 s31, s18;
	s14 =	sadd.s32 s31, s17;
	s15 =	sshrl.u32 s16, $0x3  }
0x14: {  	s16 =	simm.s32 $0x3;
	s17 =	simm.s32 $0x14000;
	s18 =	simm.s32 $0x14100  }
.LBB2_1:
0x15: {  	[spmem:s15], [sflag:s6] =	dma.local [hbm:s5], $0x2800  }
0x16: {  	_ =	swait.ge [sflag:s16], $0x2800  }
0x17: {  	[sflag:s16] =	ssyncset.done $0x0  }
0x18: {  	[sflag:s16] =	ssyncadd.s32 $0xFFFFD800  }
0x19: {  	[bflag:$0x0] =	sbarrier.arrive $0xFFFF  }
0x1a: {  	[tilespmem:s17], [sflag:$0x3] =	stream.linear.gather [hbm4b:s7+s4], $0x28, $0x38;
	[tilespmem:$0x16A00] =	vst v63  }
0x1b: {  	_ =	swait.ge [sflag:s16], $0x28  }
0x1c: {  	[sflag:s16] =	ssyncset.done $0x0  }
0x1d: {  	[sflag:s16] =	ssyncadd.s32 $0xFFFFFFD8  }
0x1e: {  	[tilespmem:s18], [sflag:$0x3] =	stream.linear.gather [hbm4b:s8+s4], $0x28, $0x38;
	[tilespmem:$0x16A00] =	vst v63  }
0x1f: {  	_ =	swait.ge [sflag:s16], $0x28  }
0x20: {  	[sflag:s16] =	ssyncset.done $0x0  }
0x21: {  	s28 =	sadd.s32 $0x0, s14;
	[sflag:s16] =	ssyncadd.s32 $0xFFFFFFD8  }
0x22: {  	[tilespmem:s20], [sflag:$0x1] =	stream.indirect.gather [hbm4b:s2+s19], $0x80, s17, s19, $0xb8;
	[tilespmem:$0x16A00] =	vst v63  }
0x23: {  	s29 =	sadd.s32 $0xA0, s28  }
0x24: {  	[tilespmem:s21], [sflag:$0x3] =	stream.linear.gather [hbm4b:s29+s4], $0x28, $0x38;
	[tilespmem:$0x16A00] =	vst v63  }
0x25: {  	_ =	swait.ge [sflag:s16], $0x28  }
0x26: {  	s1 =	sadd.s32 $0x0, s13;
	[sflag:s16] =	ssyncset.done $0x0  }
0x27: {  	s30 =	sadd.s32 $0xA0, s1;
	[sflag:s16] =	ssyncadd.s32 $0xFFFFFFD8  }
0x28: {  	[tilespmem:s22], [sflag:$0x3] =	stream.linear.gather [hbm4b:s30+s4], $0x28, $0x38;
	[tilespmem:$0x16A00] =	vst v63  }
0x29: {  	_ =	swait.ge [sflag:s16], $0x28  }
0x2a: {  	[sflag:s16] =	ssyncset.done $0x0  }
0x2b: {  	[sflag:s16] =	ssyncadd.s32 $0xFFFFFFD8  }
0x2c: {  	[tilespmem:s23], [sflag:$0x2] =	stream.indirect.gather [hbm4b:s2+s19], $0x80, s21, s19, $0xb8;
	[tilespmem:$0x16A00] =	vst v63  }
0x2d: {  	_ =	swait.ge [sflag:s24], $0x1400  }
0x2e: {  	[sflag:s24] =	ssyncset.done $0x0  }
0x2f: {  	[sflag:s24] =	ssyncadd.s32 $0xFFFFEC00  }
0x30: {  	[spmem:s3] =	stream.indirect.scatter.add.f32 [tilespmem:s20], [sflag:$0x3], $0x80, s18, s19, $0xb8;
	[tilespmem:$0x16A00] =	vst v63  }
0x31: {  	_ =	swait.ge [sflag:s16], $0x1400  }
0x32: {  	[sflag:s16] =	ssyncset.done $0x0  }
0x33: {  	s28 =	sadd.s32 $0x140, s28;
	[sflag:s16] =	ssyncadd.s32 $0xFFFFEC00  }
0x34: {  	[tilespmem:s17], [sflag:$0x3] =	stream.linear.gather [hbm4b:s28+s4], $0x28, $0x38;
	[tilespmem:$0x16A00] =	vst v63  }
0x35: {  	_ =	swait.ge [sflag:s16], $0x28  }
0x36: {  	[sflag:s16] =	ssyncset.done $0x0  }
0x37: {  	s28 =	sadd.s32 $0x140, s1;
	[sflag:s16] =	ssyncadd.s32 $0xFFFFFFD8  }
0x38: {  	[tilespmem:s18], [sflag:$0x3] =	stream.linear.gather [hbm4b:s28+s4], $0x28, $0x38;
	[tilespmem:$0x16A00] =	vst v63  }
0x39: {  	_ =	swait.ge [sflag:s16], $0x28  }
0x3a: {  	[sflag:s16] =	ssyncset.done $0x0  }
0x3b: {  	[sflag:s16] =	ssyncadd.s32 $0xFFFFFFD8  }
0x3c: {  	[tilespmem:s20], [sflag:$0x1] =	stream.indirect.gather [hbm4b:s2+s19], $0x80, s17, s19, $0xb8;
	[tilespmem:$0x16A00] =	vst v63  }
0x3d: {  	_ =	swait.ge [sflag:s25], $0x1400  }
0x3e: {  	[sflag:s25] =	ssyncset.done $0x0  }
0x3f: {  	[sflag:s25] =	ssyncadd.s32 $0xFFFFEC00  }
0x40: {  	[spmem:s3] =	stream.indirect.scatter.add.f32 [tilespmem:s23], [sflag:$0x3], $0x80, s22, s19, $0xb8;
	[tilespmem:$0x16A00] =	vst v63  }
0x41: {  	s31 =	simm.s32 $0x280;
	_ =	swait.ge [sflag:s16], $0x1400  }
0x42: {  	s30 =	sadd.s32 $0x140, s14;
	s28 =	simm.s32 $0x140;
	[sflag:s16] =	ssyncset.done $0x0  }
.LBB2_2:
0x43: {  	s0 =	sadd.s32 $0xA0, s30  }
0x44: {  	[sflag:s16] =	ssyncadd.s32 $0xFFFFEC00;
	s1 =	smov.u32 s31;
	s29 =	sadd.s32 $0x140, s31  }
0x45: {  	[tilespmem:s21], [sflag:$0x3] =	stream.linear.gather [hbm4b:s0+s4], $0x28, $0x38;
	[tilespmem:$0x16A00] =	vst v63  }
0x46: {  	p0 =	sne.s32 s31, $0x99C0;
	_ =	swait.ge [sflag:s16], $0x28  }
0x47: {  	s0 =	sadd.s32 s28, s13;
	s28 =	smov.u32 s1;
	[sflag:s16] =	ssyncset.done $0x0  }
0x48: {  	s1 =	sadd.s32 $0xA0, s0;
	[sflag:s16] =	ssyncadd.s32 $0xFFFFFFD8  }
0x49: {  	[tilespmem:s22], [sflag:$0x3] =	stream.linear.gather [hbm4b:s1+s4], $0x28, $0x38;
	[tilespmem:$0x16A00] =	vst v63  }
0x4a: {  	_ =	swait.ge [sflag:s16], $0x28  }
0x4b: {  	[sflag:s16] =	ssyncset.done $0x0  }
0x4c: {  	[sflag:s16] =	ssyncadd.s32 $0xFFFFFFD8  }
0x4d: {  	[tilespmem:s23], [sflag:$0x2] =	stream.indirect.gather [hbm4b:s2+s19], $0x80, s21, s19, $0xb8;
	[tilespmem:$0x16A00] =	vst v63  }
0x4e: {  	_ =	swait.ge [sflag:s24], $0x1400  }
0x4f: {  	[sflag:s24] =	ssyncset.done $0x0  }
0x50: {  	[sflag:s24] =	ssyncadd.s32 $0xFFFFEC00  }
0x51: {  	[spmem:s3] =	stream.indirect.scatter.add.f32 [tilespmem:s20], [sflag:$0x3], $0x80, s18, s19, $0xb8;
	[tilespmem:$0x16A00] =	vst v63  }
0x52: {  	_ =	swait.ge [sflag:s16], $0x1400  }
0x53: {  	[sflag:s16] =	ssyncset.done $0x0  }
0x54: {  	s1 =	sadd.s32 $0x140, s30;
	[sflag:s16] =	ssyncadd.s32 $0xFFFFEC00  }
0x55: {  	[tilespmem:s17], [sflag:$0x3] =	stream.linear.gather [hbm4b:s1+s4], $0x28, $0x38;
	[tilespmem:$0x16A00] =	vst v63  }
0x56: {  	_ =	swait.ge [sflag:s16], $0x28  }
0x57: {  	[sflag:s16] =	ssyncset.done $0x0  }
0x58: {  	s0 =	sadd.s32 $0x140, s0;
	[sflag:s16] =	ssyncadd.s32 $0xFFFFFFD8  }
0x59: {  	[tilespmem:s18], [sflag:$0x3] =	stream.linear.gather [hbm4b:s0+s4], $0x28, $0x38;
	[tilespmem:$0x16A00] =	vst v63  }
0x5a: {  	_ =	swait.ge [sflag:s16], $0x28  }
0x5b: {  	[sflag:s16] =	ssyncset.done $0x0  }
0x5c: {  	[sflag:s16] =	ssyncadd.s32 $0xFFFFFFD8  }
0x5d: {  	[tilespmem:s20], [sflag:$0x1] =	stream.indirect.gather [hbm4b:s2+s19], $0x80, s17, s19, $0xb8;
	[tilespmem:$0x16A00] =	vst v63  }
0x5e: {  	_ =	swait.ge [sflag:s25], $0x1400  }
.Ltmp0:
0x5f: {  	[sflag:s25] =	ssyncset.done $0x0;
	(pc) =	sbr.rel @p0 .LBB2_2-.Ltmp0, $4  }
0x60: {  	[sflag:s25] =	ssyncadd.s32 $0xFFFFEC00  }
0x61: {  	[spmem:s3] =	stream.indirect.scatter.add.f32 [tilespmem:s23], [sflag:$0x3], $0x80, s22, s19, $0xb8;
	[tilespmem:$0x16A00] =	vst v63  }
0x62: {  	_ =	swait.ge [sflag:s16], $0x1400  }
0x63: {  	s31 =	smov.u32 s29;
	s30 =	sadd.s32 s28, s14;
	[sflag:s16] =	ssyncset.done $0x0  }
0x64: {  	s0 =	sadd.s32 $0xA0, s30;
	[sflag:s16] =	ssyncadd.s32 $0xFFFFEC00  }
0x65: {  	[tilespmem:s21], [sflag:$0x3] =	stream.linear.gather [hbm4b:s0+s4], $0x28, $0x38;
	[tilespmem:$0x16A00] =	vst v63  }
0x66: {  	_ =	swait.ge [sflag:s16], $0x28  }
0x67: {  	s29 =	sadd.s32 s28, s13;
	[sflag:s16] =	ssyncset.done $0x0  }
0x68: {  	s1 =	sadd.s32 $0xA0, s29;
	[sflag:s16] =	ssyncadd.s32 $0xFFFFFFD8  }
0x69: {  	[tilespmem:s22], [sflag:$0x3] =	stream.linear.gather [hbm4b:s1+s4], $0x28, $0x38;
	[tilespmem:$0x16A00] =	vst v63  }
0x6a: {  	_ =	swait.ge [sflag:s16], $0x28  }
0x6b: {  	[sflag:s16] =	ssyncset.done $0x0  }
0x6c: {  	[sflag:s16] =	ssyncadd.s32 $0xFFFFFFD8  }
0x6d: {  	[tilespmem:s23], [sflag:$0x2] =	stream.indirect.gather [hbm4b:s2+s19], $0x80, s21, s19, $0xb8;
	[tilespmem:$0x16A00] =	vst v63  }
0x6e: {  	_ =	swait.ge [sflag:s24], $0x1400  }
0x6f: {  	[sflag:s24] =	ssyncset.done $0x0  }
0x70: {  	[sflag:s24] =	ssyncadd.s32 $0xFFFFEC00  }
0x71: {  	[spmem:s3] =	stream.indirect.scatter.add.f32 [tilespmem:s20], [sflag:$0x3], $0x80, s18, s19, $0xb8;
	[tilespmem:$0x16A00] =	vst v63  }
0x72: {  	_ =	swait.ge [sflag:s16], $0x1400  }
0x73: {  	[sflag:s16] =	ssyncset.done $0x0  }
0x74: {  	s31 =	sadd.s32 $0x140, s30;
	[sflag:s16] =	ssyncadd.s32 $0xFFFFEC00  }
0x75: {  	[tilespmem:s17], [sflag:$0x3] =	stream.linear.gather [hbm4b:s31+s4], $0x28, $0x38;
	[tilespmem:$0x16A00] =	vst v63  }
0x76: {  	_ =	swait.ge [sflag:s16], $0x28  }
0x77: {  	[sflag:s16] =	ssyncset.done $0x0  }
0x78: {  	s0 =	sadd.s32 $0x140, s29;
	[sflag:s16] =	ssyncadd.s32 $0xFFFFFFD8  }
0x79: {  	[tilespmem:s18], [sflag:$0x3] =	stream.linear.gather [hbm4b:s0+s4], $0x28, $0x38;
	[tilespmem:$0x16A00] =	vst v63  }
0x7a: {  	_ =	swait.ge [sflag:s16], $0x28  }
0x7b: {  	[sflag:s16] =	ssyncset.done $0x0  }
0x7c: {  	[sflag:s16] =	ssyncadd.s32 $0xFFFFFFD8  }
0x7d: {  	[tilespmem:s20], [sflag:$0x1] =	stream.indirect.gather [hbm4b:s2+s19], $0x80, s17, s19, $0xb8;
	[tilespmem:$0x16A00] =	vst v63  }
0x7e: {  	_ =	swait.ge [sflag:s25], $0x1400  }
0x7f: {  	[sflag:s25] =	ssyncset.done $0x0  }
0x80: {  	[sflag:s25] =	ssyncadd.s32 $0xFFFFEC00  }
0x81: {  	[spmem:s3] =	stream.indirect.scatter.add.f32 [tilespmem:s23], [sflag:$0x3], $0x80, s22, s19, $0xb8;
	[tilespmem:$0x16A00] =	vst v63  }
0x82: {  	_ =	swait.ge [sflag:s16], $0x1400  }
0x83: {  	[sflag:s16] =	ssyncset.done $0x0  }
0x84: {  	[sflag:s16] =	ssyncadd.s32 $0xFFFFEC00  }
0x85: {  	[tilespmem:s21], [sflag:$0x3] =	stream.linear.gather [hbm4b:s11+s4], $0x28, $0x38;
	[tilespmem:$0x16A00] =	vst v63  }
0x86: {  	_ =	swait.ge [sflag:s16], $0x28  }
0x87: {  	[sflag:s16] =	ssyncset.done $0x0  }
0x88: {  	[sflag:s16] =	ssyncadd.s32 $0xFFFFFFD8  }
0x89: {  	[tilespmem:s22], [sflag:$0x3] =	stream.linear.gather [hbm4b:s12+s4], $0x28, $0x38;
	[tilespmem:$0x16A00] =	vst v63  }
0x8a: {  	_ =	swait.ge [sflag:s16], $0x28  }
0x8b: {  	[sflag:s16] =	ssyncset.done $0x0  }
0x8c: {  	[sflag:s16] =	ssyncadd.s32 $0xFFFFFFD8  }
0x8d: {  	[tilespmem:s23], [sflag:$0x2] =	stream.indirect.gather [hbm4b:s2+s19], $0x80, s21, s19, $0xb8;
	[tilespmem:$0x16A00] =	vst v63  }
0x8e: {  	_ =	swait.ge [sflag:s24], $0x1400  }
0x8f: {  	[sflag:s24] =	ssyncset.done $0x0  }
0x90: {  	[sflag:s24] =	ssyncadd.s32 $0xFFFFEC00  }
0x91: {  	[spmem:s3] =	stream.indirect.scatter.add.f32 [tilespmem:s20], [sflag:$0x3], $0x80, s18, s19, $0xb8;
	[tilespmem:$0x16A00] =	vst v63  }
0x92: {  	_ =	swait.ge [sflag:s16], $0x1400  }
0x93: {  	[sflag:s16] =	ssyncset.done $0x0  }
0x94: {  	[sflag:s16] =	ssyncadd.s32 $0xFFFFEC00  }
0x95: {  	_ =	swait.ge [sflag:s25], $0x1400  }
0x96: {  	[sflag:s25] =	ssyncset.done $0x0  }
0x97: {  	[sflag:s25] =	ssyncadd.s32 $0xFFFFEC00  }
0x98: {  	[spmem:s3] =	stream.indirect.scatter.add.f32 [tilespmem:s23], [sflag:$0x3], $0x80, s22, s19, $0xb8;
	[tilespmem:$0x16A00] =	vst v63  }
0x99: {  	_ =	swait.ge [sflag:s16], $0x1400  }
0x9a: {  	s26 =	sadd.s32 $0x1, s26;
	[sflag:s16] =	ssyncset.done $0x0  }
0x9b: {  	p0 =	sne.s32 s26, s10;
	[sflag:s16] =	ssyncadd.s32 $0xFFFFEC00  }
.Ltmp1:
0x9c: {  	[bflag:$0x0] =	sbarrier.arrive $0xFFFF;
	(pc) =	sbr.rel @p0 .LBB2_1-.Ltmp1, $4  }
0x9d: {  	[hbm:s9], [sflag:s6] =	dma.local [spmem:s15], $0x2800  }
0x9e: {  	_ =	swait.ge [sflag:s16], $0x2800  }
0x9f: {  	[sflag:s16] =	ssyncset.done $0x0  }
0xa0: {  	[sflag:s16] =	ssyncadd.s32 $0xFFFFD800  }
0xa1: {  	_ =	sfence.sel $0x180000  }
0xa2: {  	[bflag:$0x0] =	sbarrier.arrive $0xFFFF  }
0xa3: {  	_ =	strace $0x90000050  }
0xa4: {  	s0 =	stileid.u32;
	[bflag:$0x2] =	sbarrier.arrive $0xFFFF  }
0xa5: {  	p0 =	sne.s32 s0, $0x0;
	s0 =	rddreg [dreg:$0x3]  }
0xa6: {  	s0 =	sadd.s32 @!p0 $0x100000, s0  }
0xa7: {  	[sflag:s0] =	ssyncadd.tile.s32 @!p0 $0x1;
	_ =	shalt  }
.Lfunc_end2:
_tile_overlayer_lowered:
.L_overlay_start_2:
0xa8: {  	(tag) =	ssettag $0x2  }
0xa9: {  	s0 =	rddreg [dreg:$0x0];
	s2 =	stileid.u32  }
0xaa: {  	s1 =	rddreg [dreg:$0x1];
	p0 =	sne.s32 s2, $0x0  }
0xab: {  	s3 =	rddreg [dreg:$0x2];
	[bflag:$0x3] =	sbarrier.arrive $0xFFFF;
	s2 =	simm.s32 @!p0 $0x1C03  }
0xac: {  	[timem:s3], [sflag:s2] =	dma.local @!p0 [hbm:s0], s1  }
0xad: {  	s0 =	simm.s32 @!p0 $0x3  }
0xae: {  	_ =	swait.ge @!p0 [sflag:s0], s1  }
0xaf: {  	s1 =	ssub.s32 @!p0 $0x0, s1;
	[sflag:s0] =	ssyncset.done @!p0 $0x0  }
0xb0: {  	[sflag:s0] =	ssyncadd.s32 @!p0 s1  }
0xb1: {  	[bflag:$0x3] =	sbarrier.arrive $0xFFFF  }
0xb2: {  	_ =	shalt  }

// kernel: kernel.8.cloned.1.call-start
scs
__scs_entry_jumppad:
0x0: {  	(pc) =	sbr.rel $0x88, $3  }
0x1: {  	(tag) =	ssettag $0x0;
	lr =	simm.s32 $0x1  }
0x2: {  	[smem:$0x3F98] =	sst lr;
	_ =	strace $0xD0000000  }
0x3: {  	_ = 	snop  }
0x4: {  	_ = 	snop  }
0x5: {  	_ = 	snop  }
0x6: {  	_ = 	snop  }
0x7: {  	_ = 	snop  }
__scs_overlays_trampoline_lowered:
0x8: {  	[smem:$0x3FA7] =	sst s0  }
0x9: {  	[smem:$0x3FA8] =	sst s1  }
0xa: {  	[smem:$0x3FA9] =	sst s2  }
0xb: {  	[smem:$0x3FAA] =	sst s3  }
0xc: {  	[smem:$0x3FAB] =	sst s4  }
0xd: {  	[smem:$0x3FAC] =	sst s5  }
0xe: {  	[smem:$0x3FAD] =	sst s6  }
0xf: {  	[smem:$0x3FAE] =	sst s7  }
0x10: {  	[smem:$0x3FAF] =	sst s8  }
0x11: {  	[smem:$0x3FB0] =	sst s9;
	s0 =	simm.s32 @!p0 $0x0  }
0x12: {  	s1 =	sld [smem:$0x3F96];
	s0 =	simm.s32 @p0 $0x1  }
0x13: {  	[smem:$0x3FB1] =	sst s0;
	s0 =	simm.s32 @!p1 $0x0  }
0x14: {  	s2 =	sld [smem:$0x3F95];
	s0 =	simm.s32 @p1 $0x1  }
0x15: {  	[smem:$0x3FB2] =	sst s0;
	s0 =	simm.s32 @!p2 $0x0  }
0x16: {  	s3 =	sld [smem:$0x3FDB];
	s0 =	simm.s32 @p2 $0x1  }
0x17: {  	s4 =	simm.s32 $0x1BF5;
	[smem:$0x3FB4] =	sst s0  }
0x18: {  	s0 =	sld [smem:$0x3F97];
	_ =	swait.ge [sflag:s4], $0x0  }
0x19: {  	s7 =	sld [smem:$0x3F98]  }
0x1a: {  	s8 =	sadd.s32 $0xFFFFE003, lr  }
0x1b: {  	s9 =	sadd.s32 $0xFFFFFEF7, lr;
	s5 =	simm.s32 $0xFFFFFFFF;
	p2 =	slt.u32 s8, $0xFFFFF086  }
0x1c: {  	p1 =	slt.u32 s9, $0xF7A;
	s5 =	simm.s32 @!p2 $0x0  }
0x1d: {  	s5 =	simm.s32 @p1 $0x1;
	p0 =	seq.s32 s7, s2  }
0x1e: {  	s7 =	smul.u32 @!p0 $0xF7A, s2;
	p2 =	seq.s32 @!p0 s5, $0x0  }
0x1f: {  	s9 =	smul.u32 $0xF7A, s1;
	s8 =	simm.s32 @!p0 $0x1BF5;
	p2 =	por !p2, p0  }
0x20: {  	[sflag:s8] =	ssyncset.s32 @!p0 $0xFFFFF086;
	s6 =	sadd.s32 @!p0 s3, s7;
	s7 =	simm.s32 @!p0 $0x108  }
0x21: {  	s3 =	sadd.s32 s3, s9;
	s6 =	sadd.s32 @!p0 $0x88, s6;
	s7 =	simm.s32 @p2 $0x1082  }
0x22: {  	[simem:s7], [sflag:s8] =	dma.local @!p0 [hbm:s6], $0xF7A  }
0x23: {  	s9 =	sor.u32 $0xD0000000, s2;
	s6 =	simm.s32 $0x108;
	_ =	swait.ge @!p0 [sflag:s8], $0x0  }
0x24: {  	s3 =	sadd.s32 $0x88, s3;
	s6 =	simm.s32 @!p1 $0x1082;
	[sflag:s4] =	ssyncset.s32 $0xFFFFF086  }
0x25: {  	[simem:s6], [sflag:s4] =	dma.local [hbm:s3], $0xF7A  }
0x26: {  	[smem:$0x3F98] =	sst s1;
	(tag) =	ssettag s2;
	_ =	strace s9  }
0x27: {  	s1 =	sld [smem:$0x3FA8]  }
0x28: {  	s2 =	sld [smem:$0x3FA9]  }
0x29: {  	s4 =	sld [smem:$0x3FAB]  }
0x2a: {  	p0 =	seq.s32 s5, $0x0;
	s5 =	sld [smem:$0x3FAC]  }
0x2b: {  	s6 =	sld [smem:$0x3FAD]  }
0x2c: {  	s7 =	sld [smem:$0x3FAE]  }
0x2d: {  	s3 =	simm.s32 $0x108;
	s8 =	sld [smem:$0x3FAF]  }
0x2e: {  	s3 =	simm.s32 @!p0 $0x1082;
	s9 =	sld [smem:$0x3FB0]  }
0x2f: {  	lr =	sadd.s32 s0, s3;
	s0 =	sld [smem:$0x3FA7]  }
0x30: {  	s3 =	sld [smem:$0x3FAA]  }
0x31: {  	[smem:$0x3FB3] =	sst s10  }
0x32: {  	s10 =	sld [smem:$0x3FB1];
	_ =	sdelay $0x3  }
0x33: {  	p0 =	seq.s32 s10, $0x1;
	s10 =	sld [smem:$0x3FB3];
	_ =	sdelay $0x3  }
0x34: {  	[smem:$0x3FB3] =	sst s10  }
0x35: {  	s10 =	sld [smem:$0x3FB2];
	_ =	sdelay $0x3  }
0x36: {  	p1 =	seq.s32 s10, $0x1;
	s10 =	sld [smem:$0x3FB3];
	_ =	sdelay $0x3  }
0x37: {  	[smem:$0x3FB3] =	sst s10  }
0x38: {  	s10 =	sld [smem:$0x3FB4]  }
0x39: {  	_ = 	snop;
	(pc) =	sbr.ind lr, $3  }
0x3a: {  	_ = 	snop  }
0x3b: {  	_ = 	snop  }
0x3c: {  	p2 =	seq.s32 s10, $0x1;
	s10 =	sld [smem:$0x3FB3]  }
0x3d: {  	_ =	shalt  }
0x3e: {  	_ =	shalt  }
0x3f: {  	_ =	shalt  }
0x40: {  	_ =	shalt  }
0x41: {  	_ =	shalt  }
0x42: {  	_ =	shalt  }
0x43: {  	_ =	shalt  }
0x44: {  	_ =	shalt  }
0x45: {  	_ =	shalt  }
0x46: {  	_ =	shalt  }
0x47: {  	_ =	shalt  }
0x48: {  	_ =	shalt  }
0x49: {  	_ =	shalt  }
0x4a: {  	_ =	shalt  }
0x4b: {  	_ =	shalt  }
0x4c: {  	_ =	shalt  }
0x4d: {  	_ =	shalt  }
0x4e: {  	_ =	shalt  }
0x4f: {  	_ =	shalt  }
0x50: {  	_ =	shalt  }
0x51: {  	_ =	shalt  }
0x52: {  	_ =	shalt  }
0x53: {  	_ =	shalt  }
0x54: {  	_ =	shalt  }
0x55: {  	_ =	shalt  }
0x56: {  	_ =	shalt  }
0x57: {  	_ =	shalt  }
0x58: {  	_ =	shalt  }
0x59: {  	_ =	shalt  }
0x5a: {  	_ =	shalt  }
0x5b: {  	_ =	shalt  }
0x5c: {  	_ =	shalt  }
0x5d: {  	_ =	shalt  }
0x5e: {  	_ =	shalt  }
0x5f: {  	_ =	shalt  }
0x60: {  	_ =	shalt  }
0x61: {  	_ =	shalt  }
0x62: {  	_ =	shalt  }
0x63: {  	_ =	shalt  }
0x64: {  	_ =	shalt  }
0x65: {  	_ =	shalt  }
0x66: {  	_ =	shalt  }
0x67: {  	_ =	shalt  }
0x68: {  	_ =	shalt  }
0x69: {  	_ =	shalt  }
0x6a: {  	_ =	shalt  }
0x6b: {  	_ =	shalt  }
0x6c: {  	_ =	shalt  }
0x6d: {  	_ =	shalt  }
0x6e: {  	_ =	shalt  }
0x6f: {  	_ =	shalt  }
0x70: {  	_ =	shalt  }
0x71: {  	_ =	shalt  }
0x72: {  	_ =	shalt  }
0x73: {  	_ =	shalt  }
0x74: {  	_ =	shalt  }
0x75: {  	_ =	shalt  }
0x76: {  	_ =	shalt  }
0x77: {  	_ =	shalt  }
0x78: {  	_ =	shalt  }
0x79: {  	_ =	shalt  }
0x7a: {  	_ =	shalt  }
0x7b: {  	_ =	shalt  }
0x7c: {  	_ =	shalt  }
0x7d: {  	_ =	shalt  }
0x7e: {  	_ =	shalt  }
0x7f: {  	_ =	shalt  }
0x80: {  	_ =	shalt  }
0x81: {  	_ =	shalt  }
0x82: {  	_ =	shalt  }
0x83: {  	_ =	shalt  }
0x84: {  	_ =	shalt  }
0x85: {  	_ =	shalt  }
0x86: {  	_ =	shalt  }
0x87: {  	_ =	shalt  }
.Lfunc_end0:
.L_simem_size_0:
called_computation_lowered:
.L_overlay_start_0:
0x88: {  	s2 =	sld [smem:$0x3FD9]  }
0x89: {  	s3 =	sld [smem:$0x3FFE];
	_ =	sdelay $0x1  }
0x8a: {  	s1 =	srdreg.scid  }
0x8b: {  	s0 =	sand.u32 $0x1, s1  }
0x8c: {  	s17 =	sshll.u32 s0, $0xA;
	s2 =	sadd.s32 s3, s2  }
0x8d: {  	s2 =	sadd.s32 s2, s17  }
0x8e: {  	[smem:$0x3FBF] =	sst s2  }
0x8f: {  	_ = 	snop  }
0x90: {  	s18 =	sld [smem:$0x3FD0];
	(tm) =	ssettm $0x1  }
0x91: {  	s19 =	sld [smem:$0x3FFB];
	_ =	sdelay $0x3  }
0x92: {  	_ =	strace s19  }
0x93: {  	s2 =	sld [smem:$0x3FFC];
	_ =	sdelay $0x3  }
0x94: {  	_ =	strace s2  }
0x95: {  	s2 =	sld [smem:$0x3FFD];
	_ =	sdelay $0x3  }
0x96: {  	_ =	strace s2  }
0x97: {  	_ =	strace $0x8FFFFFFF  }
0x98: {  	s20 =	sld [smem:$0x3FDB];
	_ =	sdelay $0x1  }
0x99: {  	s4 =	simm.s32 $_scs_section_size  }
0x9a: {  	s5 =	simm.s32 $_size__tile_overlayer_lowered;
	s6 =	simm.s32 $_tile_overlayer_lowered  }
0x9b: {  	s7 =	simm.s32 $0x1BFF;
	s21 =	sshll.u32 s6, $0x1;
	s4 =	sadd.s32 s4, s20  }
0x9c: {  	s22 =	simm.s32 $0x0;
	s5 =	sshll.u32 s5, $0x1;
	s6 =	sadd.s32 s21, s4  }
0x9d: {  	[timem:s22], [sflag:s7] =	dma.local [hbm:s6], s5  }
0x9e: {  	_ =	swait.ge [sflag:s7], s5  }
0x9f: {  	s5 =	ssub.s32 $0x0, s5;
	[sflag:s7] =	ssyncset.done $0x0  }
0xa0: {  	[sflag:s7] =	ssyncadd.s32 s5;
	_ =	sdelay $0x1  }
0xa1: {  	s23 =	simm.s32 $0x1B8B  }
0xa2: {  	_ =	swait.ge [sflag:s23], $0x1  }
0xa3: {  	[sflag:s23] =	ssyncset.done $0x0  }
0xa4: {  	[sflag:s23] =	ssyncadd.s32 $0xFFFFFFFF  }
0xa5: {  	s5 =	sld [smem:$0x0]  }
0xa6: {  	s6 =	sand.u32 $0xFFFFFFFE, s1  }
0xa7: {  	p0 =	sne.s32 s1, s6  }
0xa8: {  	s6 =	sshll.u32 @p0 s6, $0xE  }
0xa9: {  	s6 =	sadd.s32 @p0 $0x11B8D, s6;
	s7 =	sshll.u32 @p0 s5, $0x11  }
0xaa: {  	s6 =	sor.u32 @p0 s7, s6  }
0xab: {  	[sflag:s6] =	ssyncadd.remote.s32 @p0 $0x1;
	_ =	sdelay $0x1  }
0xac: {  	s6 =	simm.s32 @p0 $0x1B8D  }
0xad: {  	_ =	swait.eq @p0 [sflag:s6], $0x1  }
0xae: {  	[sflag:s6] =	ssyncadd.s32 @p0 $0xFFFFFFFF  }
0xaf: {  	s7 =	sshll.u32 @!p0 s1, $0xE  }
0xb0: {  	s7 =	sor.u32 @!p0 $0x4000, s7;
	s6 =	simm.s32 @!p0 $0x1B8D  }
0xb1: {  	s5 =	sshll.u32 @!p0 s5, $0x11;
	s7 =	sadd.s32 @!p0 $0x11B8D, s7;
	_ =	swait.eq @!p0 [sflag:s6], $0x1  }
0xb2: {  	s5 =	sor.u32 @!p0 s5, s7;
	[sflag:s6] =	ssyncadd.s32 @!p0 $0xFFFFFFFF  }
0xb3: {  	s25 =	simm.s32 $0x1B8E;
	s24 =	sld [smem:$0x3FFE];
	[sflag:s5] =	ssyncadd.remote.s32 @!p0 $0x1  }
0xb4: {  	s26 =	simm.s32 $execute0_lowered;
	[smem:$0x3FD2] =	sst s25  }
0xb5: {  	s6 =	sshll.u32 s26, $0x1;
	_ =	strace $0x80000049;
	[dreg:$0x1] =	wrdreg $0xFFFFFFFF  }
0xb6: {  	s28 =	simm.s32 $_size_execute0_lowered;
	s4 =	sadd.s32 s4, s6;
	[dreg:$0x0] =	wrdreg $0x0  }
0xb7: {  	s6 =	sshll.u32 s28, $0x1;
	[dreg:$0x2] =	wrdreg s4  }
0xb8: {  	[dreg:$0x3] =	wrdreg s6  }
0xb9: {  	[dreg:$0x4] =	wrdreg $0xC0  }
0xba: {  	_ =	task [dreg:s22], $0x5FFFF  }
0xbb: {  	[dreg:$0x1] =	wrdreg $0xFFFFFFFF  }
0xbc: {  	[dreg:$0x0] =	wrdreg $0x60  }
0xbd: {  	[dreg:$0x2] =	wrdreg s18  }
0xbe: {  	[dreg:$0x3] =	wrdreg s24  }
0xbf: {  	[dreg:$0x4] =	wrdreg $0x0  }
0xc0: {  	[dreg:$0x5] =	wrdreg $0xA  }
0xc1: {  	_ =	task.clear_ibuf [dreg:s22], $0x6FFFF;
	_ =	strace $0x90000049  }
0xc2: {  	s29 =	simm.s32 $0xA;
	_ =	strace $0x8000004B  }
0xc3: {  	_ =	swait.ge [sflag:s29], $0x1  }
0xc4: {  	[sflag:s29] =	ssyncadd.s32 $0xFFFFFFFF  }
0xc5: {  	_ =	strace $0x9000004B  }
0xc6: {  	_ =	sfence  }
0xc7: {  	s30 =	sld [smem:$0x0];
	_ =	sdelay $0x2  }
0xc8: {  	s31 =	sshll.u32 s1, $0xD;
	s1 =	sshrl.u32 s1, $0x2  }
0xc9: {  	s4 =	sand.u32 $0x4000, s31;
	s1 =	sadd.s32 s1, s30  }
0xca: {  	s0 =	sor.u32 s4, s0;
	s1 =	sshll.u32 s1, $0x11  }
0xcb: {  	s0 =	sor.u32 s1, s0  }
0xcc: {  	s0 =	sadd.s32 $0x8F2B, s0  }
0xcd: {  	[sflag:s0] =	ssyncadd.remote.s32 $0x1  }
0xce: {  	_ =	sfence.sel $0xFFFF  }
0xcf: {  	[dreg:$0x0] =	wrdreg $0xFFFFFFFF;
	(pc) =	sbr.abs _section_cstart, $3  }
0xd0: {  	[dreg:$0x1] =	wrdreg $0xFFFFFFFF  }
0xd1: {  	_ =	task.clear_ibuf [dreg:s22], $0x2FFFF;
	_ =	strace $0x9FFFFFFF  }
0xd2: {  	(tm) =	ssettm $0x7FFFFFFF  }
0xd3: {  	_ =	shalt  }
tec
execute0_lowered:
.L_overlay_start_1:
0x0: {  	(tag) =	ssettag $0x1  }
0x1: {  	s8 =	rddreg [dreg:$0x0];
	s0 =	stileid.u32  }
0x2: {  	s1 =	srdreg.scid;
	s4 =	rddreg [dreg:$0x1]  }
0x3: {  	s2 =	rddreg [dreg:$0x2];
	s3 =	simm.s32 $0x0;
	s15 =	simm.s32 $0x1  }
0x4: {  	s16 =	simm.s32 $0x28;
	s17 =	simm.s32 $0x14100;
	s18 =	simm.s32 $0x2  }
0x5: {  	s5 =	smul.u32 $0x14000, s0;
	s6 =	sand.u32 $0x1, s1;
	s1 =	rddreg [dreg:$0x3]  }
0x6: {  	s19 =	simm.s32 $0x0;
	[smem:$0x7FF] =	sst s3;
	s11 =	smul.u32 $0x50000, s0  }
0x7: {  	s10 =	sshll.u32 s0, $0x1;
	s30 =	sshll.u32 s0, $0x6;
	s13 =	smul.u32 $0xA, s0  }
0x8: {  	s7 =	smul.u32 $0x140000, s6;
	_ =	strace $0x8000004A;
	s25 =	ssub.s32 $0x2, s6  }
0x9: {  	s28 =	sor.u32 s6, s10;
	s14 =	smul.u32 $0x5, s6;
	s9 =	sshrl.u32 s5, $0x3  }
0xa: {  	s26 =	sshrl.u32 s25, $0x1;
	s29 =	sshrl.u32 s11, $0x2;
	s10 =	smul.u32 $0x5, s28  }
0xb: {  	s31 =	sadd.s32 s13, s8;
	s13 =	simm.s32 $0x14000;
	s5 =	sadd.s32 s5, s7  }
0xc: {  	s24 =	sadd.s32 s9, s4;
	s9 =	ssub.s32 s25, s26;
	s11 =	sadd.s32 s29, s2  }
0xd: {  	s5 =	sshrl.u32 s5, $0x3;
	s6 =	sadd.s32 s8, s10;
	s8 =	smax.u32 s9, $0x1  }
0xe: {  	s10 =	sadd.s32 s14, s31;
	s11 =	sshrl.u32 s11, $0x3;
	s14 =	simm.s32 $0x14080  }
0xf: {  	s12 =	sadd.s32 s5, s4;
	s4 =	sadd.s32 $0xC000, s24;
	s5 =	sor.u32 $0x1C03, s30  }
0x10: {  	v0 =	vimm.f32 $1.000000000e+00;
	s9 =	sadd.s32 $0x9BA0, s6;
	s7 =	sadd.s32 $0x84000, s12;
	s12 =	simm.s32 $0x3  }
.LBB2_1:
0x11: {  	[spmem:s11], [sflag:s5] =	dma.local [hbm:s4], $0x2800  }
0x12: {  	_ =	swait.ge [sflag:s12], $0x2800  }
0x13: {  	[sflag:s12] =	ssyncset.done $0x0  }
0x14: {  	s20 =	simm.s32 $0x0;
	s21 =	simm.s32 $0x200;
	[sflag:s12] =	ssyncadd.s32 $0xFFFFD800  }
.LBB2_2:
0x15: {  	p0 =	sne.s32 s21, $0x4E00;
	[tilespmem:s20+$0x14170] =	vst v0  }
0x16: {  	[tilespmem:s20+$0x14100] =	vst v0  }
0x17: {  	[tilespmem:s20+$0x14110] =	vst v0  }
.Ltmp0:
0x18: {  	[tilespmem:s20+$0x14120] =	vst v0;
	(pc) =	sbr.rel @p0 .LBB2_2-.Ltmp0, $4  }
0x19: {  	[tilespmem:s20+$0x14130] =	vst v0  }
0x1a: {  	[tilespmem:s20+$0x14140] =	vst v0  }
0x1b: {  	[tilespmem:s20+$0x14150] =	vst v0  }
0x1c: {  	[tilespmem:s20+$0x14160] =	vst v0;
	s20 =	sshra.s32 s21, $0x2;
	s21 =	sadd.s32 $0x200, s21  }
0x1d: {  	[tilespmem:s20+$0x14170] =	vst v0  }
0x1e: {  	[tilespmem:s20+$0x14100] =	vst v0  }
0x1f: {  	[tilespmem:s20+$0x14110] =	vst v0  }
0x20: {  	[tilespmem:s20+$0x14120] =	vst v0  }
0x21: {  	[tilespmem:s20+$0x14130] =	vst v0  }
0x22: {  	[tilespmem:s20+$0x14140] =	vst v0  }
0x23: {  	[tilespmem:s20+$0x14150] =	vst v0  }
0x24: {  	[tilespmem:s20+$0x14160] =	vst v0  }
0x25: {  	s31 =	sadd.s32 $0xFFFF6500, s10;
	[bflag:$0x0] =	sbarrier.arrive $0xFFFF  }
0x26: {  	[tilespmem:s13], [sflag:$0x1] =	stream.linear.gather [hbm4b:s6+s3], $0x28, $0x38;
	[tilespmem:$0x15500] =	vst v63  }
0x27: {  	s21 =	sadd.s32 $0x9BA0, s31  }
0x28: {  	[tilespmem:s14], [sflag:$0x2] =	stream.linear.gather [hbm4b:s21+s3], $0x28, $0x38;
	[tilespmem:$0x15500] =	vst v63  }
0x29: {  	_ =	swait.ge [sflag:s15], $0x28  }
0x2a: {  	[sflag:s15] =	ssyncset.done $0x0  }
0x2b: {  	[sflag:s15] =	ssyncadd.s32 $0xFFFFFFD8  }
0x2c: {  	[spmem:s2] =	stream.indirect.scatter.add.f32 [tilespmem:s17], [sflag:$0x3], $0x80, s13, s16, $0xb8;
	[tilespmem:$0x15500] =	vst v63  }
0x2d: {  	_ =	swait.ge [sflag:s12], $0x1400  }
0x2e: {  	[sflag:s12] =	ssyncset.done $0x0  }
0x2f: {  	s20 =	sadd.s32 $0x9C40, s31;
	[sflag:s12] =	ssyncadd.s32 $0xFFFFEC00  }
0x30: {  	[tilespmem:s13], [sflag:$0x1] =	stream.linear.gather [hbm4b:s20+s3], $0x28, $0x38;
	[tilespmem:$0x15500] =	vst v63  }
0x31: {  	_ =	swait.ge [sflag:s18], $0x28  }
0x32: {  	[sflag:s18] =	ssyncset.done $0x0  }
0x33: {  	[sflag:s18] =	ssyncadd.s32 $0xFFFFFFD8  }
0x34: {  	[spmem:s2] =	stream.indirect.scatter.add.f32 [tilespmem:s17], [sflag:$0x3], $0x80, s14, s16, $0xb8;
	[tilespmem:$0x15500] =	vst v63  }
0x35: {  	_ =	swait.ge [sflag:s12], $0x1400  }
0x36: {  	s21 =	simm.s32 $0xFFFF6780;
	s20 =	sadd.s32 $0xFFFF6640, s10;
	[sflag:s12] =	ssyncset.done $0x0  }
.LBB2_4:
0x37: {  	s22 =	sadd.s32 $0x9BA0, s20  }
0x38: {  	[sflag:s12] =	ssyncadd.s32 $0xFFFFEC00;
	s23 =	smov.u32 s21;
	s24 =	sadd.s32 $0x140, s21  }
0x39: {  	[tilespmem:s14], [sflag:$0x2] =	stream.linear.gather [hbm4b:s22+s3], $0x28, $0x38;
	[tilespmem:$0x15500] =	vst v63  }
0x3a: {  	p0 =	sne.s32 s21, $0xFFFFFEC0;
	_ =	swait.ge [sflag:s15], $0x28  }
0x3b: {  	[sflag:s15] =	ssyncset.done $0x0  }
0x3c: {  	[sflag:s15] =	ssyncadd.s32 $0xFFFFFFD8  }
0x3d: {  	[spmem:s2] =	stream.indirect.scatter.add.f32 [tilespmem:s17], [sflag:$0x3], $0x80, s13, s16, $0xb8;
	[tilespmem:$0x15500] =	vst v63  }
0x3e: {  	_ =	swait.ge [sflag:s12], $0x1400  }
0x3f: {  	[sflag:s12] =	ssyncset.done $0x0  }
0x40: {  	s20 =	sadd.s32 $0x9C40, s20;
	[sflag:s12] =	ssyncadd.s32 $0xFFFFEC00  }
0x41: {  	[tilespmem:s13], [sflag:$0x1] =	stream.linear.gather [hbm4b:s20+s3], $0x28, $0x38;
	[tilespmem:$0x15500] =	vst v63  }
0x42: {  	_ =	swait.ge [sflag:s18], $0x28  }
.Ltmp1:
0x43: {  	[sflag:s18] =	ssyncset.done $0x0;
	(pc) =	sbr.rel @p0 .LBB2_4-.Ltmp1, $4  }
0x44: {  	[sflag:s18] =	ssyncadd.s32 $0xFFFFFFD8  }
0x45: {  	[spmem:s2] =	stream.indirect.scatter.add.f32 [tilespmem:s17], [sflag:$0x3], $0x80, s14, s16, $0xb8;
	[tilespmem:$0x15500] =	vst v63  }
0x46: {  	_ =	swait.ge [sflag:s12], $0x1400  }
0x47: {  	s21 =	smov.u32 s24;
	s20 =	sadd.s32 s23, s10;
	[sflag:s12] =	ssyncset.done $0x0  }
0x48: {  	s21 =	sadd.s32 $0x9BA0, s20;
	[sflag:s12] =	ssyncadd.s32 $0xFFFFEC00  }
0x49: {  	[tilespmem:s14], [sflag:$0x2] =	stream.linear.gather [hbm4b:s21+s3], $0x28, $0x38;
	[tilespmem:$0x15500] =	vst v63  }
0x4a: {  	_ =	swait.ge [sflag:s15], $0x28  }
0x4b: {  	[sflag:s15] =	ssyncset.done $0x0  }
0x4c: {  	[sflag:s15] =	ssyncadd.s32 $0xFFFFFFD8  }
0x4d: {  	[spmem:s2] =	stream.indirect.scatter.add.f32 [tilespmem:s17], [sflag:$0x3], $0x80, s13, s16, $0xb8;
	[tilespmem:$0x15500] =	vst v63  }
0x4e: {  	_ =	swait.ge [sflag:s12], $0x1400  }
0x4f: {  	[sflag:s12] =	ssyncset.done $0x0  }
0x50: {  	s31 =	sadd.s32 $0x9C40, s20;
	[sflag:s12] =	ssyncadd.s32 $0xFFFFEC00  }
0x51: {  	[tilespmem:s13], [sflag:$0x1] =	stream.linear.gather [hbm4b:s31+s3], $0x28, $0x38;
	[tilespmem:$0x15500] =	vst v63  }
0x52: {  	_ =	swait.ge [sflag:s18], $0x28  }
0x53: {  	[sflag:s18] =	ssyncset.done $0x0  }
0x54: {  	[sflag:s18] =	ssyncadd.s32 $0xFFFFFFD8  }
0x55: {  	[spmem:s2] =	stream.indirect.scatter.add.f32 [tilespmem:s17], [sflag:$0x3], $0x80, s14, s16, $0xb8;
	[tilespmem:$0x15500] =	vst v63  }
0x56: {  	_ =	swait.ge [sflag:s12], $0x1400  }
0x57: {  	[sflag:s12] =	ssyncset.done $0x0  }
0x58: {  	[sflag:s12] =	ssyncadd.s32 $0xFFFFEC00  }
0x59: {  	[tilespmem:s14], [sflag:$0x2] =	stream.linear.gather [hbm4b:s9+s3], $0x28, $0x38;
	[tilespmem:$0x15500] =	vst v63  }
0x5a: {  	_ =	swait.ge [sflag:s15], $0x28  }
0x5b: {  	[sflag:s15] =	ssyncset.done $0x0  }
0x5c: {  	[sflag:s15] =	ssyncadd.s32 $0xFFFFFFD8  }
0x5d: {  	[spmem:s2] =	stream.indirect.scatter.add.f32 [tilespmem:s17], [sflag:$0x3], $0x80, s13, s16, $0xb8;
	[tilespmem:$0x15500] =	vst v63  }
0x5e: {  	_ =	swait.ge [sflag:s12], $0x1400  }
0x5f: {  	[sflag:s12] =	ssyncset.done $0x0  }
0x60: {  	[sflag:s12] =	ssyncadd.s32 $0xFFFFEC00  }
0x61: {  	_ =	swait.ge [sflag:s18], $0x28  }
0x62: {  	[sflag:s18] =	ssyncset.done $0x0  }
0x63: {  	[sflag:s18] =	ssyncadd.s32 $0xFFFFFFD8  }
0x64: {  	[spmem:s2] =	stream.indirect.scatter.add.f32 [tilespmem:s17], [sflag:$0x3], $0x80, s14, s16, $0xb8;
	[tilespmem:$0x15500] =	vst v63  }
0x65: {  	_ =	swait.ge [sflag:s12], $0x1400  }
0x66: {  	s19 =	sadd.s32 $0x1, s19;
	[sflag:s12] =	ssyncset.done $0x0  }
0x67: {  	p0 =	sne.s32 s19, s8;
	[sflag:s12] =	ssyncadd.s32 $0xFFFFEC00  }
.Ltmp2:
0x68: {  	[bflag:$0x0] =	sbarrier.arrive $0xFFFF;
	(pc) =	sbr.rel @p0 .LBB2_1-.Ltmp2, $4  }
0x69: {  	[hbm:s7], [sflag:s5] =	dma.local [spmem:s11], $0x2800  }
0x6a: {  	_ =	swait.ge [sflag:s12], $0x2800  }
0x6b: {  	[sflag:s12] =	ssyncset.done $0x0  }
0x6c: {  	[sflag:s12] =	ssyncadd.s32 $0xFFFFD800  }
0x6d: {  	_ =	sfence.sel $0x180000  }
0x6e: {  	[bflag:$0x0] =	sbarrier.arrive $0xFFFF  }
0x6f: {  	p0 =	sne.s32 s0, $0x0;
	_ =	strace $0x9000004A  }
0x70: {  	s0 =	sadd.s32 @!p0 $0x100000, s1;
	[bflag:$0x2] =	sbarrier.arrive $0xFFFF  }
0x71: {  	[sflag:s0] =	ssyncadd.tile.s32 @!p0 $0x1;
	_ =	shalt  }
.Lfunc_end2:
_tile_overlayer_lowered:
.L_overlay_start_2:
0x72: {  	(tag) =	ssettag $0x2  }
0x73: {  	s0 =	rddreg [dreg:$0x0];
	s2 =	stileid.u32  }
0x74: {  	s1 =	rddreg [dreg:$0x1];
	p0 =	sne.s32 s2, $0x0  }
0x75: {  	s3 =	rddreg [dreg:$0x2];
	[bflag:$0x3] =	sbarrier.arrive $0xFFFF;
	s2 =	simm.s32 @!p0 $0x1C03  }
0x76: {  	[timem:s3], [sflag:s2] =	dma.local @!p0 [hbm:s0], s1  }
0x77: {  	s0 =	simm.s32 @!p0 $0x3  }
0x78: {  	_ =	swait.ge @!p0 [sflag:s0], s1  }
0x79: {  	s1 =	ssub.s32 @!p0 $0x0, s1;
	[sflag:s0] =	ssyncset.done @!p0 $0x0  }
0x7a: {  	[sflag:s0] =	ssyncadd.s32 @!p0 s1  }
0x7b: {  	[bflag:$0x3] =	sbarrier.arrive $0xFFFF  }
0x7c: {  	_ =	shalt  }

</sc_bundles>
